<compile_context>
chip_gen: v7x
topology: tpu7x:2x2x1
jax: 0.10.2.dev20260603
libtpu: 0.0.44.dev20260713+nightly
codegen_flags: <defaults>
</compile_context>

<pallas_src>
import jax
import jax.numpy as jnp
from jax import lax
from jax.experimental import pallas as pl
from jax.experimental.pallas import tpu as pltpu
from jax.experimental.pallas import tpu_sc as plsc

N_USERS = 1000000
N_ITEMS = 1000000
D = 16
B = 16384

NC = 2
NS = 16
L = 16
NW = NC * NS
BPW = B // NW
NBLK = BPW // L

ROWS = N_USERS + N_ITEMS
RG = ROWS // 128
FG_STRIDE = RG * 1024

DOFF = [(d // 8) * FG_STRIDE + (d % 8) * 128 for d in range(D)]

CP = pltpu.CompilerParams(needs_layout_passes=False,
                          use_tc_tiling_on_sc=False)


def _mesh():
    return plsc.VectorSubcoreMesh(
        core_axis_name="c", subcore_axis_name="s",
        num_cores=NC, num_subcores=NS)


def _dot_body(x_hbm, emb_hbm, out_hbm, ru_hbm, ri_hbm,
              xv, uix, iix, ruv, riv, uft, ift, outv, sem):
    wid = lax.axis_index("s") * NC + lax.axis_index("c")
    base = wid * BPW

    pltpu.sync_copy(x_hbm.at[pl.ds(base * 2, 2 * BPW)], xv)

    def build(blk, _):
        qoff = (blk // 8) * 256 + (blk % 8) * L
        ru = xv[pl.ds(qoff, L)]
        ri = xv[pl.ds(qoff + 128, L)] + N_USERS
        ruv[pl.ds(blk * L, L)] = ru
        riv[pl.ds(blk * L, L)] = ri
        bu = ((ru >> 7) << 10) + (ru & 127)
        bi = ((ri >> 7) << 10) + (ri & 127)
        for d in range(D):
            uix[pl.ds(d * BPW + blk * L, L)] = bu + DOFF[d]
            iix[pl.ds(d * BPW + blk * L, L)] = bi + DOFF[d]
        return 0

    lax.fori_loop(0, NBLK, build, 0)

    pltpu.sync_copy(ruv, ru_hbm.at[pl.ds(base, BPW)])
    pltpu.sync_copy(riv, ri_hbm.at[pl.ds(base, BPW)])

    cu = pltpu.async_copy(emb_hbm.at[uix], uft, sem)
    ci = pltpu.async_copy(emb_hbm.at[iix], ift, sem)
    cu.wait()
    ci.wait()

    def dot_blk(blk, _):
        acc = (uft[pl.ds(blk * L, L)] * ift[pl.ds(blk * L, L)])
        for d in range(1, D):
            u = uft[pl.ds(d * BPW + blk * L, L)]
            v = ift[pl.ds(d * BPW + blk * L, L)]
            acc = acc + u * v
        outv[pl.ds(blk * L, L)] = acc
        return 0

    lax.fori_loop(0, NBLK, dot_blk, 0)

    pltpu.sync_copy(outv, out_hbm.at[pl.ds(base, BPW)])


def _bias_body(ru_hbm, ri_hbm, bias_hbm, part_hbm, out_hbm,
               ruix, riix, ub, ib, pv, sem):
    wid = lax.axis_index("s") * NC + lax.axis_index("c")
    base = wid * BPW

    cp = pltpu.async_copy(part_hbm.at[pl.ds(base, BPW)], pv, sem)
    pltpu.sync_copy(ru_hbm.at[pl.ds(base, BPW)], ruix)
    pltpu.sync_copy(ri_hbm.at[pl.ds(base, BPW)], riix)

    cu = pltpu.async_copy(bias_hbm.at[ruix], ub, sem)
    ci = pltpu.async_copy(bias_hbm.at[riix], ib, sem)
    cp.wait()
    cu.wait()
    ci.wait()

    def add_blk(blk, _):
        s = pl.ds(blk * L, L)
        pv[s] = pv[s] + ub[s] + ib[s]
        return 0

    lax.fori_loop(0, NBLK, add_blk, 0)

    pltpu.sync_copy(pv, out_hbm.at[pl.ds(base, BPW)])


@jax.jit
def _gmf(x_batch, emb_table, bias_table):
    x = x_batch.astype(jnp.int32)
    x_flat = x.reshape(128, 128, 2).transpose(0, 2, 1).reshape(-1)
    emb_flat = (emb_table.reshape(RG, 128, 2, 8)
                .transpose(2, 0, 3, 1).reshape(-1))
    bias_flat = jnp.sum(bias_table.T, axis=0)

    part, ru, ri = pl.kernel(
        _dot_body,
        out_type=(jax.ShapeDtypeStruct((B,), jnp.float32),
                  jax.ShapeDtypeStruct((B,), jnp.int32),
                  jax.ShapeDtypeStruct((B,), jnp.int32)),
        mesh=_mesh(),
        compiler_params=CP,
        scratch_types=[
            pltpu.VMEM((2 * BPW,), jnp.int32),
            pltpu.VMEM((D * BPW,), jnp.int32),
            pltpu.VMEM((D * BPW,), jnp.int32),
            pltpu.VMEM((BPW,), jnp.int32),
            pltpu.VMEM((BPW,), jnp.int32),
            pltpu.VMEM((D * BPW,), jnp.float32),
            pltpu.VMEM((D * BPW,), jnp.float32),
            pltpu.VMEM((BPW,), jnp.float32),
            pltpu.SemaphoreType.DMA,
        ],
    )(x_flat, emb_flat)

    out = pl.kernel(
        _bias_body,
        out_type=jax.ShapeDtypeStruct((B,), jnp.float32),
        mesh=_mesh(),
        compiler_params=CP,
        scratch_types=[
            pltpu.VMEM((BPW,), jnp.int32),
            pltpu.VMEM((BPW,), jnp.int32),
            pltpu.VMEM((BPW,), jnp.float32),
            pltpu.VMEM((BPW,), jnp.float32),
            pltpu.VMEM((BPW,), jnp.float32),
            pltpu.SemaphoreType.DMA,
        ],
    )(ru, ri, bias_flat, part)
    return out


def kernel(x_batch, emb_table, bias_table):
    return _gmf(x_batch, emb_table, bias_table)

# --- scband reference (transcript-rebuilt; emitter-appended) ---
"""Pipeline reference for scband-biased-gmf-94489281307 (READ-ONLY COPY).

The authoritative reference and input builder live on the scoring server;
editing this copy changes nothing except your own understanding.
"""

import jax, jax.numpy as jnp
import numpy as np

N_USERS = 1000000
N_ITEMS = 1000000
D = 16
B = 16384


def setup_inputs(seed: int = 0) -> dict:
    key = jax.random.key(seed)
    k1, k2, k3 = jax.random.split(key, 3)
    x_batch = jax.random.randint(k1, (B, 2), 0, N_USERS)
    # MultiFeatureEmbedding is modeled as a single concatenated table with per-feature offsets
    emb_table = jax.random.normal(k2, (N_USERS + N_ITEMS, D), dtype=jnp.float32) * 0.01
    bias_table = jax.random.normal(k3, (N_USERS + N_ITEMS, 1), dtype=jnp.float32) * 0.01
    return {"x_batch": x_batch, "emb_table": emb_table, "bias_table": bias_table}


def reference(x_batch, emb_table, bias_table):
    # MultiFeatureEmbedding: offset feature 1 (items) by n_users into the shared table
    offsets = jnp.array([0, N_USERS], dtype=x_batch.dtype)
    idx = x_batch + offsets[None, :]
    x_emb_batch = jnp.take(emb_table, idx, axis=0)        # [B, 2, D]
    x_emb_bias_batch = jnp.take(bias_table, idx, axis=0)  # [B, 2, 1]
    users = x_emb_batch[:, 0]   # [B, D]
    items = x_emb_batch[:, 1]   # [B, D]
    users_bias = x_emb_bias_batch[:, 0, 0]  # [B]
    items_bias = x_emb_bias_batch[:, 1, 0]  # [B]
    # BatchDot of [B,1,D] x [B,1,D] -> batched inner product -> [B]
    dot_product = jnp.sum(users * items, axis=-1)
    return dot_product + users_bias + items_bias

if __name__ == "__main__":
    import jax
    _d = setup_inputs()
    print(jax.jit(kernel)(*tuple(_d.values())))

</pallas_src>

<mosaic_0001>
#map = affine_map<(d0, d1) -> (0)>
module attributes {stable_mosaic.version = 14 : i64} {
  func.func @_bias_body(%arg0: i32, %arg1: i32, %arg2: memref<16384xi32, #tpu.memory_space<hbm>>, %arg3: memref<16384xi32, #tpu.memory_space<hbm>>, %arg4: memref<2000000xf32, #tpu.memory_space<hbm>>, %arg5: memref<16384xf32, #tpu.memory_space<hbm>>, %arg6: memref<16384xf32, #tpu.memory_space<hbm>>, %arg7: memref<512xi32, #tpu.memory_space<vmem>>, %arg8: memref<512xi32, #tpu.memory_space<vmem>>, %arg9: memref<512xf32, #tpu.memory_space<vmem>>, %arg10: memref<512xf32, #tpu.memory_space<vmem>>, %arg11: memref<512xf32, #tpu.memory_space<vmem>>, %arg12: memref<!tpu.dma_semaphore, #tpu.memory_space<semaphore_mem>>) attributes {dimension_semantics = [#tpu.dimension_semantics<core_parallel>, #tpu.dimension_semantics<subcore_parallel>], iteration_bounds = array<i64: 2, 16>, scalar_prefetch = 0 : i64, scratch_operands = 6 : i64, tpu.core_type = #tpu.core_type<sc_vector_subcore>, window_params = [{transform_indices = #map}, {transform_indices = #map}, {transform_indices = #map}, {transform_indices = #map}, {transform_indices = #map}]} {
    %mul3A = arith.constant 2 : i32
    %mul3A_0 = arith.muli %arg1, %mul3A : i32
    %add3A = arith.addi %mul3A_0, %arg0 : i32
    %mul3A_1 = arith.constant 512 : i32
    %mul3A_2 = arith.muli %add3A, %mul3A_1 : i32
    %dma_start3A = tpu.memref_slice %arg5[%mul3A_2] : memref<16384xf32, #tpu.memory_space<hbm>> -> memref<512xf32, #tpu.memory_space<hbm>>
    %dma_start3A_3 = tpu.memref_slice %arg5[%mul3A_2] : memref<16384xf32, #tpu.memory_space<hbm>> -> memref<512xf32, #tpu.memory_space<hbm>>
    tpu.enqueue_dma source(%dma_start3A_3 : memref<512xf32, #tpu.memory_space<hbm>>) target(%arg11 : memref<512xf32, #tpu.memory_space<vmem>>) target_semaphore(%arg12 : memref<!tpu.dma_semaphore, #tpu.memory_space<semaphore_mem>>)
    "tpu.region"() ({
      %run_scoped3A = tpu.sem_alloc : memref<!tpu.dma_semaphore, #tpu.memory_space<semaphore_mem>>
      %dma_start3A_19 = tpu.memref_slice %arg2[%mul3A_2] : memref<16384xi32, #tpu.memory_space<hbm>> -> memref<512xi32, #tpu.memory_space<hbm>>
      %dma_start3A_20 = tpu.memref_slice %arg2[%mul3A_2] : memref<16384xi32, #tpu.memory_space<hbm>> -> memref<512xi32, #tpu.memory_space<hbm>>
      tpu.enqueue_dma source(%dma_start3A_20 : memref<512xi32, #tpu.memory_space<hbm>>) target(%arg7 : memref<512xi32, #tpu.memory_space<vmem>>) target_semaphore(%run_scoped3A : memref<!tpu.dma_semaphore, #tpu.memory_space<semaphore_mem>>)
      %dma_wait3A_21 = tpu.memref_slice %arg2[%mul3A_2] : memref<16384xi32, #tpu.memory_space<hbm>> -> memref<512xi32, #tpu.memory_space<hbm>>
      %dma_wait3A_22 = tpu.memref_slice %arg2[%mul3A_2] : memref<16384xi32, #tpu.memory_space<hbm>> -> memref<512xi32, #tpu.memory_space<hbm>>
      tpu.wait_dma2 semaphore(%run_scoped3A : memref<!tpu.dma_semaphore, #tpu.memory_space<semaphore_mem>>) src(%dma_wait3A_22 : memref<512xi32, #tpu.memory_space<hbm>>) dst(%arg7 : memref<512xi32, #tpu.memory_space<vmem>>)
      tpu.yield
    }) : () -> ()
    "tpu.region"() ({
      %run_scoped3A = tpu.sem_alloc : memref<!tpu.dma_semaphore, #tpu.memory_space<semaphore_mem>>
      %dma_start3A_19 = tpu.memref_slice %arg3[%mul3A_2] : memref<16384xi32, #tpu.memory_space<hbm>> -> memref<512xi32, #tpu.memory_space<hbm>>
      %dma_start3A_20 = tpu.memref_slice %arg3[%mul3A_2] : memref<16384xi32, #tpu.memory_space<hbm>> -> memref<512xi32, #tpu.memory_space<hbm>>
      tpu.enqueue_dma source(%dma_start3A_20 : memref<512xi32, #tpu.memory_space<hbm>>) target(%arg8 : memref<512xi32, #tpu.memory_space<vmem>>) target_semaphore(%run_scoped3A : memref<!tpu.dma_semaphore, #tpu.memory_space<semaphore_mem>>)
      %dma_wait3A_21 = tpu.memref_slice %arg3[%mul3A_2] : memref<16384xi32, #tpu.memory_space<hbm>> -> memref<512xi32, #tpu.memory_space<hbm>>
      %dma_wait3A_22 = tpu.memref_slice %arg3[%mul3A_2] : memref<16384xi32, #tpu.memory_space<hbm>> -> memref<512xi32, #tpu.memory_space<hbm>>
      tpu.wait_dma2 semaphore(%run_scoped3A : memref<!tpu.dma_semaphore, #tpu.memory_space<semaphore_mem>>) src(%dma_wait3A_22 : memref<512xi32, #tpu.memory_space<hbm>>) dst(%arg8 : memref<512xi32, #tpu.memory_space<vmem>>)
      tpu.yield
    }) : () -> ()
    %dma_start3A_4 = arith.constant 0 : i32
    %dma_start3A_5 = tpu.memref_slice %arg4[%dma_start3A_4] : memref<2000000xf32, #tpu.memory_space<hbm>> -> memref<2000000xf32, #tpu.memory_space<hbm>>
    tpu.enqueue_indirect_dma source(%dma_start3A_5 : memref<2000000xf32, #tpu.memory_space<hbm>>) target(%arg9 : memref<512xf32, #tpu.memory_space<vmem>>) offsets(%arg7 : memref<512xi32, #tpu.memory_space<vmem>>) semaphore(%arg12 : memref<!tpu.dma_semaphore, #tpu.memory_space<semaphore_mem>>)
    %dma_start3A_6 = arith.constant 0 : i32
    %dma_start3A_7 = tpu.memref_slice %arg4[%dma_start3A_6] : memref<2000000xf32, #tpu.memory_space<hbm>> -> memref<2000000xf32, #tpu.memory_space<hbm>>
    tpu.enqueue_indirect_dma source(%dma_start3A_7 : memref<2000000xf32, #tpu.memory_space<hbm>>) target(%arg10 : memref<512xf32, #tpu.memory_space<vmem>>) offsets(%arg8 : memref<512xi32, #tpu.memory_space<vmem>>) semaphore(%arg12 : memref<!tpu.dma_semaphore, #tpu.memory_space<semaphore_mem>>)
    %dma_wait3A = tpu.memref_slice %arg5[%mul3A_2] : memref<16384xf32, #tpu.memory_space<hbm>> -> memref<512xf32, #tpu.memory_space<hbm>>
    %dma_wait3A_8 = tpu.memref_slice %arg5[%mul3A_2] : memref<16384xf32, #tpu.memory_space<hbm>> -> memref<512xf32, #tpu.memory_space<hbm>>
    tpu.wait_dma2 semaphore(%arg12 : memref<!tpu.dma_semaphore, #tpu.memory_space<semaphore_mem>>) src(%dma_wait3A_8 : memref<512xf32, #tpu.memory_space<hbm>>) dst(%arg11 : memref<512xf32, #tpu.memory_space<vmem>>)
    %dma_wait3A_9 = arith.constant 0 : i32
    %dma_wait3A_10 = tpu.memref_slice %arg4[%dma_wait3A_9] : memref<2000000xf32, #tpu.memory_space<hbm>> -> memref<2000000xf32, #tpu.memory_space<hbm>>
    tpu.wait_indirect_dma semaphore(%arg12 : memref<!tpu.dma_semaphore, #tpu.memory_space<semaphore_mem>>) src(%dma_wait3A_10 : memref<2000000xf32, #tpu.memory_space<hbm>>) dst(%arg9 : memref<512xf32, #tpu.memory_space<vmem>>)
    %dma_wait3A_11 = arith.constant 0 : i32
    %dma_wait3A_12 = tpu.memref_slice %arg4[%dma_wait3A_11] : memref<2000000xf32, #tpu.memory_space<hbm>> -> memref<2000000xf32, #tpu.memory_space<hbm>>
    tpu.wait_indirect_dma semaphore(%arg12 : memref<!tpu.dma_semaphore, #tpu.memory_space<semaphore_mem>>) src(%dma_wait3A_12 : memref<2000000xf32, #tpu.memory_space<hbm>>) dst(%arg10 : memref<512xf32, #tpu.memory_space<vmem>>)
    %scan3A = arith.constant 0 : i32
    %scan3A_13 = arith.constant 0 : i32
    %scan3A_14 = arith.constant 32 : i32
    %scan3A_15 = arith.addi %scan3A_13, %scan3A_14 : i32
    %scan3A_16 = arith.constant 1 : i32
    %scan3A_17 = scf.for %scan3A_19 = %scan3A_13 to %scan3A_15 step %scan3A_16 iter_args(%scan3A_20 = %scan3A) -> (i32)  : i32 {
      %mul3A_21 = arith.constant 16 : i32
      %mul3A_22 = arith.muli %scan3A_19, %mul3A_21 : i32
      %get3A = arith.index_cast %mul3A_22 : i32 to index
      %get3A_23 = tpu.vector_load %arg11[%get3A] {strides = array<i32>} : memref<512xf32, #tpu.memory_space<vmem>>, vector<16xf32>,
      %get3A_24 = arith.index_cast %mul3A_22 : i32 to index
      %get3A_25 = tpu.vector_load %arg9[%get3A_24] {strides = array<i32>} : memref<512xf32, #tpu.memory_space<vmem>>, vector<16xf32>,
      %add3A_26 = arith.addf %get3A_23, %get3A_25 : vector<16xf32>
      %get3A_27 = arith.index_cast %mul3A_22 : i32 to index
      %get3A_28 = tpu.vector_load %arg10[%get3A_27] {strides = array<i32>} : memref<512xf32, #tpu.memory_space<vmem>>, vector<16xf32>,
      %add3A_29 = arith.addf %add3A_26, %get3A_28 : vector<16xf32>
      %swap3A = arith.index_cast %mul3A_22 : i32 to index
      %swap3A_30 = tpu.vector_load %arg11[%swap3A] {strides = array<i32>} : memref<512xf32, #tpu.memory_space<vmem>>, vector<16xf32>,
      tpu.vector_store %arg11[%swap3A], %add3A_29 {strides = array<i32>} : memref<512xf32, #tpu.memory_space<vmem>>, vector<16xf32>,
      %scan3A_31 = arith.constant 0 : i32
      scf.yield %scan3A_31 : i32
    }
    %scan3A_18 = arith.constant 32 : i32
    "tpu.region"() ({
      %run_scoped3A = tpu.sem_alloc : memref<!tpu.dma_semaphore, #tpu.memory_space<semaphore_mem>>
      %dma_start3A_19 = tpu.memref_slice %arg6[%mul3A_2] : memref<16384xf32, #tpu.memory_space<hbm>> -> memref<512xf32, #tpu.memory_space<hbm>>
      %dma_start3A_20 = tpu.memref_slice %arg6[%mul3A_2] : memref<16384xf32, #tpu.memory_space<hbm>> -> memref<512xf32, #tpu.memory_space<hbm>>
      tpu.enqueue_dma source(%arg11 : memref<512xf32, #tpu.memory_space<vmem>>) target(%dma_start3A_20 : memref<512xf32, #tpu.memory_space<hbm>>) target_semaphore(%run_scoped3A : memref<!tpu.dma_semaphore, #tpu.memory_space<semaphore_mem>>)
      %dma_wait3A_21 = tpu.memref_slice %arg6[%mul3A_2] : memref<16384xf32, #tpu.memory_space<hbm>> -> memref<512xf32, #tpu.memory_space<hbm>>
      %dma_wait3A_22 = tpu.memref_slice %arg6[%mul3A_2] : memref<16384xf32, #tpu.memory_space<hbm>> -> memref<512xf32, #tpu.memory_space<hbm>>
      tpu.wait_dma2 semaphore(%run_scoped3A : memref<!tpu.dma_semaphore, #tpu.memory_space<semaphore_mem>>) src(%arg11 : memref<512xf32, #tpu.memory_space<vmem>>) dst(%dma_wait3A_22 : memref<512xf32, #tpu.memory_space<hbm>>)
      tpu.yield
    }) : () -> ()
    return
  }
}

#map = affine_map<(d0, d1) -> (0)>
module attributes {stable_mosaic.version = 14 : i64} {
  func.func @_dot_body(%arg0: i32, %arg1: i32, %arg2: memref<32768xi32, #tpu.memory_space<hbm>>, %arg3: memref<32000000xf32, #tpu.memory_space<hbm>>, %arg4: memref<16384xf32, #tpu.memory_space<hbm>>, %arg5: memref<16384xi32, #tpu.memory_space<hbm>>, %arg6: memref<16384xi32, #tpu.memory_space<hbm>>, %arg7: memref<1024xi32, #tpu.memory_space<vmem>>, %arg8: memref<8192xi32, #tpu.memory_space<vmem>>, %arg9: memref<8192xi32, #tpu.memory_space<vmem>>, %arg10: memref<512xi32, #tpu.memory_space<vmem>>, %arg11: memref<512xi32, #tpu.memory_space<vmem>>, %arg12: memref<8192xf32, #tpu.memory_space<vmem>>, %arg13: memref<8192xf32, #tpu.memory_space<vmem>>, %arg14: memref<512xf32, #tpu.memory_space<vmem>>, %arg15: memref<!tpu.dma_semaphore, #tpu.memory_space<semaphore_mem>>) attributes {dimension_semantics = [#tpu.dimension_semantics<core_parallel>, #tpu.dimension_semantics<subcore_parallel>], iteration_bounds = array<i64: 2, 16>, scalar_prefetch = 0 : i64, scratch_operands = 9 : i64, tpu.core_type = #tpu.core_type<sc_vector_subcore>, window_params = [{transform_indices = #map}, {transform_indices = #map}, {transform_indices = #map}, {transform_indices = #map}, {transform_indices = #map}]} {
    %mul3A = arith.constant 2 : i32
    %mul3A_0 = arith.muli %arg1, %mul3A : i32
    %add3A = arith.addi %mul3A_0, %arg0 : i32
    %mul3A_1 = arith.constant 512 : i32
    %mul3A_2 = arith.muli %add3A, %mul3A_1 : i32
    %mul3A_3 = arith.constant 2 : i32
    %mul3A_4 = arith.muli %mul3A_2, %mul3A_3 : i32
    "tpu.region"() ({
      %run_scoped3A = tpu.sem_alloc : memref<!tpu.dma_semaphore, #tpu.memory_space<semaphore_mem>>
      %dma_start3A_24 = tpu.memref_slice %arg2[%mul3A_4] : memref<32768xi32, #tpu.memory_space<hbm>> -> memref<1024xi32, #tpu.memory_space<hbm>>
      %dma_start3A_25 = tpu.memref_slice %arg2[%mul3A_4] : memref<32768xi32, #tpu.memory_space<hbm>> -> memref<1024xi32, #tpu.memory_space<hbm>>
      tpu.enqueue_dma source(%dma_start3A_25 : memref<1024xi32, #tpu.memory_space<hbm>>) target(%arg7 : memref<1024xi32, #tpu.memory_space<vmem>>) target_semaphore(%run_scoped3A : memref<!tpu.dma_semaphore, #tpu.memory_space<semaphore_mem>>)
      %dma_wait3A_26 = tpu.memref_slice %arg2[%mul3A_4] : memref<32768xi32, #tpu.memory_space<hbm>> -> memref<1024xi32, #tpu.memory_space<hbm>>
      %dma_wait3A_27 = tpu.memref_slice %arg2[%mul3A_4] : memref<32768xi32, #tpu.memory_space<hbm>> -> memref<1024xi32, #tpu.memory_space<hbm>>
      tpu.wait_dma2 semaphore(%run_scoped3A : memref<!tpu.dma_semaphore, #tpu.memory_space<semaphore_mem>>) src(%dma_wait3A_27 : memref<1024xi32, #tpu.memory_space<hbm>>) dst(%arg7 : memref<1024xi32, #tpu.memory_space<vmem>>)
      tpu.yield
    }) : () -> ()
    %scan3A = arith.constant 0 : i32
    %scan3A_5 = arith.constant 0 : i32
    %scan3A_6 = arith.constant 32 : i32
    %scan3A_7 = arith.addi %scan3A_5, %scan3A_6 : i32
    %scan3A_8 = arith.constant 1 : i32
    %scan3A_9 = scf.for %scan3A_24 = %scan3A_5 to %scan3A_7 step %scan3A_8 iter_args(%scan3A_25 = %scan3A) -> (i32)  : i32 {
      %jit3A = arith.constant 8 : i32
      %div3A = arith.divsi %scan3A_24, %jit3A : i32
      %sign3A = arith.constant 0 : i32
      %sign3A_26 = arith.cmpi sgt, %scan3A_24, %sign3A : i32
      %sign3A_27 = arith.extui %sign3A_26 : i1 to i32
      %sign3A_28 = arith.constant 0 : i32
      %sign3A_29 = arith.cmpi slt, %scan3A_24, %sign3A_28 : i32
      %sign3A_30 = arith.extui %sign3A_29 : i1 to i32
      %sign3A_31 = arith.subi %sign3A_27, %sign3A_30 : i32
      %sign3A_32 = arith.constant 0 : i32
      %sign3A_33 = arith.cmpi sgt, %jit3A, %sign3A_32 : i32
      %sign3A_34 = arith.extui %sign3A_33 : i1 to i32
      %sign3A_35 = arith.constant 0 : i32
      %sign3A_36 = arith.cmpi slt, %jit3A, %sign3A_35 : i32
      %sign3A_37 = arith.extui %sign3A_36 : i1 to i32
      %sign3A_38 = arith.subi %sign3A_34, %sign3A_37 : i32
      %ne3A = arith.cmpi ne, %sign3A_31, %sign3A_38 : i32
      %rem3A = arith.remsi %scan3A_24, %jit3A : i32
      %ne3A_39 = arith.constant 0 : i32
      %ne3A_40 = arith.cmpi ne, %rem3A, %ne3A_39 : i32
      %and3A = arith.andi %ne3A, %ne3A_40 : i1
      %sub3A = arith.constant 1 : i32
      %sub3A_41 = arith.subi %div3A, %sub3A : i32
      %select_n3A = arith.select %and3A, %sub3A_41, %div3A : i32
      %mul3A_42 = arith.constant 256 : i32
      %mul3A_43 = arith.muli %select_n3A, %mul3A_42 : i32
      %jit3A_44 = arith.constant 8 : i32
      %eq3A = arith.constant 0 : i32
      %eq3A_45 = arith.cmpi eq, %jit3A_44, %eq3A : i32
      %jit3A_46 = arith.constant 1 : i32
      %select_n3A_47 = arith.select %eq3A_45, %jit3A_46, %jit3A_44 : i32
      %rem3A_48 = arith.remsi %scan3A_24, %select_n3A_47 : i32
      %ne3A_49 = arith.constant 0 : i32
      %ne3A_50 = arith.cmpi ne, %rem3A_48, %ne3A_49 : i32
      %lt3A = arith.constant 0 : i32
      %lt3A_51 = arith.cmpi slt, %rem3A_48, %lt3A : i32
      %lt3A_52 = arith.constant 0 : i32
      %lt3A_53 = arith.cmpi slt, %select_n3A_47, %lt3A_52 : i32
      %ne3A_54 = arith.xori %lt3A_51, %lt3A_53 : i1
      %and3A_55 = arith.andi %ne3A_54, %ne3A_50 : i1
      %add3A_56 = arith.addi %rem3A_48, %select_n3A_47 : i32
      %select_n3A_57 = arith.select %and3A_55, %add3A_56, %rem3A_48 : i32
      %mul3A_58 = arith.constant 16 : i32
      %mul3A_59 = arith.muli %select_n3A_57, %mul3A_58 : i32
      %add3A_60 = arith.addi %mul3A_43, %mul3A_59 : i32
      %get3A = arith.index_cast %add3A_60 : i32 to index
      %get3A_61 = tpu.vector_load %arg7[%get3A] {strides = array<i32>} : memref<1024xi32, #tpu.memory_space<vmem>>, vector<16xi32>,
      %add3A_62 = arith.constant 128 : i32
      %add3A_63 = arith.addi %add3A_60, %add3A_62 : i32
      %get3A_64 = arith.index_cast %add3A_63 : i32 to index
      %get3A_65 = tpu.vector_load %arg7[%get3A_64] {strides = array<i32>} : memref<1024xi32, #tpu.memory_space<vmem>>, vector<16xi32>,
      %add3A_66 = arith.constant 1000000 : i32
      %add3A_67 = vector.broadcast %add3A_66 : i32 to vector<16xi32>
      %add3A_68 = arith.addi %get3A_65, %add3A_67 : vector<16xi32>
      %mul3A_69 = arith.constant 16 : i32
      %mul3A_70 = arith.muli %scan3A_24, %mul3A_69 : i32
      %swap3A = arith.index_cast %mul3A_70 : i32 to index
      %swap3A_71 = tpu.vector_load %arg10[%swap3A] {strides = array<i32>} : memref<512xi32, #tpu.memory_space<vmem>>, vector<16xi32>,
      tpu.vector_store %arg10[%swap3A], %get3A_61 {strides = array<i32>} : memref<512xi32, #tpu.memory_space<vmem>>, vector<16xi32>,
      %mul3A_72 = arith.constant 16 : i32
      %mul3A_73 = arith.muli %scan3A_24, %mul3A_72 : i32
      %swap3A_74 = arith.index_cast %mul3A_73 : i32 to index
      %swap3A_75 = tpu.vector_load %arg11[%swap3A_74] {strides = array<i32>} : memref<512xi32, #tpu.memory_space<vmem>>, vector<16xi32>,
      tpu.vector_store %arg11[%swap3A_74], %add3A_68 {strides = array<i32>} : memref<512xi32, #tpu.memory_space<vmem>>, vector<16xi32>,
      %shift_right_arithmetic3A = arith.constant 7 : i32
      %shift_right_arithmetic3A_76 = vector.broadcast %shift_right_arithmetic3A : i32 to vector<16xi32>
      %shift_right_arithmetic3A_77 = arith.shrsi %get3A_61, %shift_right_arithmetic3A_76 : vector<16xi32>
      %shift_left3A = arith.constant 10 : i32
      %shift_left3A_78 = vector.broadcast %shift_left3A : i32 to vector<16xi32>
      %shift_left3A_79 = arith.shli %shift_right_arithmetic3A_77, %shift_left3A_78 : vector<16xi32>
      %and3A_80 = arith.constant 127 : i32
      %and3A_81 = vector.broadcast %and3A_80 : i32 to vector<16xi32>
      %and3A_82 = arith.andi %get3A_61, %and3A_81 : vector<16xi32>
      %add3A_83 = arith.addi %shift_left3A_79, %and3A_82 : vector<16xi32>
      %shift_right_arithmetic3A_84 = arith.constant 7 : i32
      %shift_right_arithmetic3A_85 = vector.broadcast %shift_right_arithmetic3A_84 : i32 to vector<16xi32>
      %shift_right_arithmetic3A_86 = arith.shrsi %add3A_68, %shift_right_arithmetic3A_85 : vector<16xi32>
      %shift_left3A_87 = arith.constant 10 : i32
      %shift_left3A_88 = vector.broadcast %shift_left3A_87 : i32 to vector<16xi32>
      %shift_left3A_89 = arith.shli %shift_right_arithmetic3A_86, %shift_left3A_88 : vector<16xi32>
      %and3A_90 = arith.constant 127 : i32
      %and3A_91 = vector.broadcast %and3A_90 : i32 to vector<16xi32>
      %and3A_92 = arith.andi %add3A_68, %and3A_91 : vector<16xi32>
      %add3A_93 = arith.addi %shift_left3A_89, %and3A_92 : vector<16xi32>
      %add3A_94 = arith.constant 0 : i32
      %add3A_95 = vector.broadcast %add3A_94 : i32 to vector<16xi32>
      %add3A_96 = arith.addi %add3A_83, %add3A_95 : vector<16xi32>
      %mul3A_97 = arith.constant 16 : i32
      %mul3A_98 = arith.muli %scan3A_24, %mul3A_97 : i32
      %add3A_99 = arith.constant 0 : i32
      %add3A_100 = arith.addi %add3A_99, %mul3A_98 : i32
      %swap3A_101 = arith.index_cast %add3A_100 : i32 to index
      %swap3A_102 = tpu.vector_load %arg8[%swap3A_101] {strides = array<i32>} : memref<8192xi32, #tpu.memory_space<vmem>>, vector<16xi32>,
      tpu.vector_store %arg8[%swap3A_101], %add3A_96 {strides = array<i32>} : memref<8192xi32, #tpu.memory_space<vmem>>, vector<16xi32>,
      %add3A_103 = arith.constant 0 : i32
      %add3A_104 = vector.broadcast %add3A_103 : i32 to vector<16xi32>
      %add3A_105 = arith.addi %add3A_93, %add3A_104 : vector<16xi32>
      %mul3A_106 = arith.constant 16 : i32
      %mul3A_107 = arith.muli %scan3A_24, %mul3A_106 : i32
      %add3A_108 = arith.constant 0 : i32
      %add3A_109 = arith.addi %add3A_108, %mul3A_107 : i32
      %swap3A_110 = arith.index_cast %add3A_109 : i32 to index
      %swap3A_111 = tpu.vector_load %arg9[%swap3A_110] {strides = array<i32>} : memref<8192xi32, #tpu.memory_space<vmem>>, vector<16xi32>,
      tpu.vector_store %arg9[%swap3A_110], %add3A_105 {strides = array<i32>} : memref<8192xi32, #tpu.memory_space<vmem>>, vector<16xi32>,
      %add3A_112 = arith.constant 128 : i32
      %add3A_113 = vector.broadcast %add3A_112 : i32 to vector<16xi32>
      %add3A_114 = arith.addi %add3A_83, %add3A_113 : vector<16xi32>
      %mul3A_115 = arith.constant 16 : i32
      %mul3A_116 = arith.muli %scan3A_24, %mul3A_115 : i32
      %add3A_117 = arith.constant 512 : i32
      %add3A_118 = arith.addi %add3A_117, %mul3A_116 : i32
      %swap3A_119 = arith.index_cast %add3A_118 : i32 to index
      %swap3A_120 = tpu.vector_load %arg8[%swap3A_119] {strides = array<i32>} : memref<8192xi32, #tpu.memory_space<vmem>>, vector<16xi32>,
      tpu.vector_store %arg8[%swap3A_119], %add3A_114 {strides = array<i32>} : memref<8192xi32, #tpu.memory_space<vmem>>, vector<16xi32>,
      %add3A_121 = arith.constant 128 : i32
      %add3A_122 = vector.broadcast %add3A_121 : i32 to vector<16xi32>
      %add3A_123 = arith.addi %add3A_93, %add3A_122 : vector<16xi32>
      %mul3A_124 = arith.constant 16 : i32
      %mul3A_125 = arith.muli %scan3A_24, %mul3A_124 : i32
      %add3A_126 = arith.constant 512 : i32
      %add3A_127 = arith.addi %add3A_126, %mul3A_125 : i32
      %swap3A_128 = arith.index_cast %add3A_127 : i32 to index
      %swap3A_129 = tpu.vector_load %arg9[%swap3A_128] {strides = array<i32>} : memref<8192xi32, #tpu.memory_space<vmem>>, vector<16xi32>,
      tpu.vector_store %arg9[%swap3A_128], %add3A_123 {strides = array<i32>} : memref<8192xi32, #tpu.memory_space<vmem>>, vector<16xi32>,
      %add3A_130 = arith.constant 256 : i32
      %add3A_131 = vector.broadcast %add3A_130 : i32 to vector<16xi32>
      %add3A_132 = arith.addi %add3A_83, %add3A_131 : vector<16xi32>
      %mul3A_133 = arith.constant 16 : i32
      %mul3A_134 = arith.muli %scan3A_24, %mul3A_133 : i32
      %add3A_135 = arith.constant 1024 : i32
      %add3A_136 = arith.addi %add3A_135, %mul3A_134 : i32
      %swap3A_137 = arith.index_cast %add3A_136 : i32 to index
      %swap3A_138 = tpu.vector_load %arg8[%swap3A_137] {strides = array<i32>} : memref<8192xi32, #tpu.memory_space<vmem>>, vector<16xi32>,
      tpu.vector_store %arg8[%swap3A_137], %add3A_132 {strides = array<i32>} : memref<8192xi32, #tpu.memory_space<vmem>>, vector<16xi32>,
      %add3A_139 = arith.constant 256 : i32
      %add3A_140 = vector.broadcast %add3A_139 : i32 to vector<16xi32>
      %add3A_141 = arith.addi %add3A_93, %add3A_140 : vector<16xi32>
      %mul3A_142 = arith.constant 16 : i32
      %mul3A_143 = arith.muli %scan3A_24, %mul3A_142 : i32
      %add3A_144 = arith.constant 1024 : i32
      %add3A_145 = arith.addi %add3A_144, %mul3A_143 : i32
      %swap3A_146 = arith.index_cast %add3A_145 : i32 to index
      %swap3A_147 = tpu.vector_load %arg9[%swap3A_146] {strides = array<i32>} : memref<8192xi32, #tpu.memory_space<vmem>>, vector<16xi32>,
      tpu.vector_store %arg9[%swap3A_146], %add3A_141 {strides = array<i32>} : memref<8192xi32, #tpu.memory_space<vmem>>, vector<16xi32>,
      %add3A_148 = arith.constant 384 : i32
      %add3A_149 = vector.broadcast %add3A_148 : i32 to vector<16xi32>
      %add3A_150 = arith.addi %add3A_83, %add3A_149 : vector<16xi32>
      %mul3A_151 = arith.constant 16 : i32
      %mul3A_152 = arith.muli %scan3A_24, %mul3A_151 : i32
      %add3A_153 = arith.constant 1536 : i32
      %add3A_154 = arith.addi %add3A_153, %mul3A_152 : i32
      %swap3A_155 = arith.index_cast %add3A_154 : i32 to index
      %swap3A_156 = tpu.vector_load %arg8[%swap3A_155] {strides = array<i32>} : memref<8192xi32, #tpu.memory_space<vmem>>, vector<16xi32>,
      tpu.vector_store %arg8[%swap3A_155], %add3A_150 {strides = array<i32>} : memref<8192xi32, #tpu.memory_space<vmem>>, vector<16xi32>,
      %add3A_157 = arith.constant 384 : i32
      %add3A_158 = vector.broadcast %add3A_157 : i32 to vector<16xi32>
      %add3A_159 = arith.addi %add3A_93, %add3A_158 : vector<16xi32>
      %mul3A_160 = arith.constant 16 : i32
      %mul3A_161 = arith.muli %scan3A_24, %mul3A_160 : i32
      %add3A_162 = arith.constant 1536 : i32
      %add3A_163 = arith.addi %add3A_162, %mul3A_161 : i32
      %swap3A_164 = arith.index_cast %add3A_163 : i32 to index
      %swap3A_165 = tpu.vector_load %arg9[%swap3A_164] {strides = array<i32>} : memref<8192xi32, #tpu.memory_space<vmem>>, vector<16xi32>,
      tpu.vector_store %arg9[%swap3A_164], %add3A_159 {strides = array<i32>} : memref<8192xi32, #tpu.memory_space<vmem>>, vector<16xi32>,
      %add3A_166 = arith.constant 512 : i32
      %add3A_167 = vector.broadcast %add3A_166 : i32 to vector<16xi32>
      %add3A_168 = arith.addi %add3A_83, %add3A_167 : vector<16xi32>
      %mul3A_169 = arith.constant 16 : i32
      %mul3A_170 = arith.muli %scan3A_24, %mul3A_169 : i32
      %add3A_171 = arith.constant 2048 : i32
      %add3A_172 = arith.addi %add3A_171, %mul3A_170 : i32
      %swap3A_173 = arith.index_cast %add3A_172 : i32 to index
      %swap3A_174 = tpu.vector_load %arg8[%swap3A_173] {strides = array<i32>} : memref<8192xi32, #tpu.memory_space<vmem>>, vector<16xi32>,
      tpu.vector_store %arg8[%swap3A_173], %add3A_168 {strides = array<i32>} : memref<8192xi32, #tpu.memory_space<vmem>>, vector<16xi32>,
      %add3A_175 = arith.constant 512 : i32
      %add3A_176 = vector.broadcast %add3A_175 : i32 to vector<16xi32>
      %add3A_177 = arith.addi %add3A_93, %add3A_176 : vector<16xi32>
      %mul3A_178 = arith.constant 16 : i32
      %mul3A_179 = arith.muli %scan3A_24, %mul3A_178 : i32
      %add3A_180 = arith.constant 2048 : i32
      %add3A_181 = arith.addi %add3A_180, %mul3A_179 : i32
      %swap3A_182 = arith.index_cast %add3A_181 : i32 to index
      %swap3A_183 = tpu.vector_load %arg9[%swap3A_182] {strides = array<i32>} : memref<8192xi32, #tpu.memory_space<vmem>>, vector<16xi32>,
      tpu.vector_store %arg9[%swap3A_182], %add3A_177 {strides = array<i32>} : memref<8192xi32, #tpu.memory_space<vmem>>, vector<16xi32>,
      %add3A_184 = arith.constant 640 : i32
      %add3A_185 = vector.broadcast %add3A_184 : i32 to vector<16xi32>
      %add3A_186 = arith.addi %add3A_83, %add3A_185 : vector<16xi32>
      %mul3A_187 = arith.constant 16 : i32
      %mul3A_188 = arith.muli %scan3A_24, %mul3A_187 : i32
      %add3A_189 = arith.constant 2560 : i32
      %add3A_190 = arith.addi %add3A_189, %mul3A_188 : i32
      %swap3A_191 = arith.index_cast %add3A_190 : i32 to index
      %swap3A_192 = tpu.vector_load %arg8[%swap3A_191] {strides = array<i32>} : memref<8192xi32, #tpu.memory_space<vmem>>, vector<16xi32>,
      tpu.vector_store %arg8[%swap3A_191], %add3A_186 {strides = array<i32>} : memref<8192xi32, #tpu.memory_space<vmem>>, vector<16xi32>,
      %add3A_193 = arith.constant 640 : i32
      %add3A_194 = vector.broadcast %add3A_193 : i32 to vector<16xi32>
      %add3A_195 = arith.addi %add3A_93, %add3A_194 : vector<16xi32>
      %mul3A_196 = arith.constant 16 : i32
      %mul3A_197 = arith.muli %scan3A_24, %mul3A_196 : i32
      %add3A_198 = arith.constant 2560 : i32
      %add3A_199 = arith.addi %add3A_198, %mul3A_197 : i32
      %swap3A_200 = arith.index_cast %add3A_199 : i32 to index
      %swap3A_201 = tpu.vector_load %arg9[%swap3A_200] {strides = array<i32>} : memref<8192xi32, #tpu.memory_space<vmem>>, vector<16xi32>,
      tpu.vector_store %arg9[%swap3A_200], %add3A_195 {strides = array<i32>} : memref<8192xi32, #tpu.memory_space<vmem>>, vector<16xi32>,
      %add3A_202 = arith.constant 768 : i32
      %add3A_203 = vector.broadcast %add3A_202 : i32 to vector<16xi32>
      %add3A_204 = arith.addi %add3A_83, %add3A_203 : vector<16xi32>
      %mul3A_205 = arith.constant 16 : i32
      %mul3A_206 = arith.muli %scan3A_24, %mul3A_205 : i32
      %add3A_207 = arith.constant 3072 : i32
      %add3A_208 = arith.addi %add3A_207, %mul3A_206 : i32
      %swap3A_209 = arith.index_cast %add3A_208 : i32 to index
      %swap3A_210 = tpu.vector_load %arg8[%swap3A_209] {strides = array<i32>} : memref<8192xi32, #tpu.memory_space<vmem>>, vector<16xi32>,
      tpu.vector_store %arg8[%swap3A_209], %add3A_204 {strides = array<i32>} : memref<8192xi32, #tpu.memory_space<vmem>>, vector<16xi32>,
      %add3A_211 = arith.constant 768 : i32
      %add3A_212 = vector.broadcast %add3A_211 : i32 to vector<16xi32>
      %add3A_213 = arith.addi %add3A_93, %add3A_212 : vector<16xi32>
      %mul3A_214 = arith.constant 16 : i32
      %mul3A_215 = arith.muli %scan3A_24, %mul3A_214 : i32
      %add3A_216 = arith.constant 3072 : i32
      %add3A_217 = arith.addi %add3A_216, %mul3A_215 : i32
      %swap3A_218 = arith.index_cast %add3A_217 : i32 to index
      %swap3A_219 = tpu.vector_load %arg9[%swap3A_218] {strides = array<i32>} : memref<8192xi32, #tpu.memory_space<vmem>>, vector<16xi32>,
      tpu.vector_store %arg9[%swap3A_218], %add3A_213 {strides = array<i32>} : memref<8192xi32, #tpu.memory_space<vmem>>, vector<16xi32>,
      %add3A_220 = arith.constant 896 : i32
      %add3A_221 = vector.broadcast %add3A_220 : i32 to vector<16xi32>
      %add3A_222 = arith.addi %add3A_83, %add3A_221 : vector<16xi32>
      %mul3A_223 = arith.constant 16 : i32
      %mul3A_224 = arith.muli %scan3A_24, %mul3A_223 : i32
      %add3A_225 = arith.constant 3584 : i32
      %add3A_226 = arith.addi %add3A_225, %mul3A_224 : i32
      %swap3A_227 = arith.index_cast %add3A_226 : i32 to index
      %swap3A_228 = tpu.vector_load %arg8[%swap3A_227] {strides = array<i32>} : memref<8192xi32, #tpu.memory_space<vmem>>, vector<16xi32>,
      tpu.vector_store %arg8[%swap3A_227], %add3A_222 {strides = array<i32>} : memref<8192xi32, #tpu.memory_space<vmem>>, vector<16xi32>,
      %add3A_229 = arith.constant 896 : i32
      %add3A_230 = vector.broadcast %add3A_229 : i32 to vector<16xi32>
      %add3A_231 = arith.addi %add3A_93, %add3A_230 : vector<16xi32>
      %mul3A_232 = arith.constant 16 : i32
      %mul3A_233 = arith.muli %scan3A_24, %mul3A_232 : i32
      %add3A_234 = arith.constant 3584 : i32
      %add3A_235 = arith.addi %add3A_234, %mul3A_233 : i32
      %swap3A_236 = arith.index_cast %add3A_235 : i32 to index
      %swap3A_237 = tpu.vector_load %arg9[%swap3A_236] {strides = array<i32>} : memref<8192xi32, #tpu.memory_space<vmem>>, vector<16xi32>,
      tpu.vector_store %arg9[%swap3A_236], %add3A_231 {strides = array<i32>} : memref<8192xi32, #tpu.memory_space<vmem>>, vector<16xi32>,
      %add3A_238 = arith.constant 16000000 : i32
      %add3A_239 = vector.broadcast %add3A_238 : i32 to vector<16xi32>
      %add3A_240 = arith.addi %add3A_83, %add3A_239 : vector<16xi32>
      %mul3A_241 = arith.constant 16 : i32
      %mul3A_242 = arith.muli %scan3A_24, %mul3A_241 : i32
      %add3A_243 = arith.constant 4096 : i32
      %add3A_244 = arith.addi %add3A_243, %mul3A_242 : i32
      %swap3A_245 = arith.index_cast %add3A_244 : i32 to index
      %swap3A_246 = tpu.vector_load %arg8[%swap3A_245] {strides = array<i32>} : memref<8192xi32, #tpu.memory_space<vmem>>, vector<16xi32>,
      tpu.vector_store %arg8[%swap3A_245], %add3A_240 {strides = array<i32>} : memref<8192xi32, #tpu.memory_space<vmem>>, vector<16xi32>,
      %add3A_247 = arith.constant 16000000 : i32
      %add3A_248 = vector.broadcast %add3A_247 : i32 to vector<16xi32>
      %add3A_249 = arith.addi %add3A_93, %add3A_248 : vector<16xi32>
      %mul3A_250 = arith.constant 16 : i32
      %mul3A_251 = arith.muli %scan3A_24, %mul3A_250 : i32
      %add3A_252 = arith.constant 4096 : i32
      %add3A_253 = arith.addi %add3A_252, %mul3A_251 : i32
      %swap3A_254 = arith.index_cast %add3A_253 : i32 to index
      %swap3A_255 = tpu.vector_load %arg9[%swap3A_254] {strides = array<i32>} : memref<8192xi32, #tpu.memory_space<vmem>>, vector<16xi32>,
      tpu.vector_store %arg9[%swap3A_254], %add3A_249 {strides = array<i32>} : memref<8192xi32, #tpu.memory_space<vmem>>, vector<16xi32>,
      %add3A_256 = arith.constant 16000128 : i32
      %add3A_257 = vector.broadcast %add3A_256 : i32 to vector<16xi32>
      %add3A_258 = arith.addi %add3A_83, %add3A_257 : vector<16xi32>
      %mul3A_259 = arith.constant 16 : i32
      %mul3A_260 = arith.muli %scan3A_24, %mul3A_259 : i32
      %add3A_261 = arith.constant 4608 : i32
      %add3A_262 = arith.addi %add3A_261, %mul3A_260 : i32
      %swap3A_263 = arith.index_cast %add3A_262 : i32 to index
      %swap3A_264 = tpu.vector_load %arg8[%swap3A_263] {strides = array<i32>} : memref<8192xi32, #tpu.memory_space<vmem>>, vector<16xi32>,
      tpu.vector_store %arg8[%swap3A_263], %add3A_258 {strides = array<i32>} : memref<8192xi32, #tpu.memory_space<vmem>>, vector<16xi32>,
      %add3A_265 = arith.constant 16000128 : i32
      %add3A_266 = vector.broadcast %add3A_265 : i32 to vector<16xi32>
      %add3A_267 = arith.addi %add3A_93, %add3A_266 : vector<16xi32>
      %mul3A_268 = arith.constant 16 : i32
      %mul3A_269 = arith.muli %scan3A_24, %mul3A_268 : i32
      %add3A_270 = arith.constant 4608 : i32
      %add3A_271 = arith.addi %add3A_270, %mul3A_269 : i32
      %swap3A_272 = arith.index_cast %add3A_271 : i32 to index
      %swap3A_273 = tpu.vector_load %arg9[%swap3A_272] {strides = array<i32>} : memref<8192xi32, #tpu.memory_space<vmem>>, vector<16xi32>,
      tpu.vector_store %arg9[%swap3A_272], %add3A_267 {strides = array<i32>} : memref<8192xi32, #tpu.memory_space<vmem>>, vector<16xi32>,
      %add3A_274 = arith.constant 16000256 : i32
      %add3A_275 = vector.broadcast %add3A_274 : i32 to vector<16xi32>
      %add3A_276 = arith.addi %add3A_83, %add3A_275 : vector<16xi32>
      %mul3A_277 = arith.constant 16 : i32
      %mul3A_278 = arith.muli %scan3A_24, %mul3A_277 : i32
      %add3A_279 = arith.constant 5120 : i32
      %add3A_280 = arith.addi %add3A_279, %mul3A_278 : i32
      %swap3A_281 = arith.index_cast %add3A_280 : i32 to index
      %swap3A_282 = tpu.vector_load %arg8[%swap3A_281] {strides = array<i32>} : memref<8192xi32, #tpu.memory_space<vmem>>, vector<16xi32>,
      tpu.vector_store %arg8[%swap3A_281], %add3A_276 {strides = array<i32>} : memref<8192xi32, #tpu.memory_space<vmem>>, vector<16xi32>,
      %add3A_283 = arith.constant 16000256 : i32
      %add3A_284 = vector.broadcast %add3A_283 : i32 to vector<16xi32>
      %add3A_285 = arith.addi %add3A_93, %add3A_284 : vector<16xi32>
      %mul3A_286 = arith.constant 16 : i32
      %mul3A_287 = arith.muli %scan3A_24, %mul3A_286 : i32
      %add3A_288 = arith.constant 5120 : i32
      %add3A_289 = arith.addi %add3A_288, %mul3A_287 : i32
      %swap3A_290 = arith.index_cast %add3A_289 : i32 to index
      %swap3A_291 = tpu.vector_load %arg9[%swap3A_290] {strides = array<i32>} : memref<8192xi32, #tpu.memory_space<vmem>>, vector<16xi32>,
      tpu.vector_store %arg9[%swap3A_290], %add3A_285 {strides = array<i32>} : memref<8192xi32, #tpu.memory_space<vmem>>, vector<16xi32>,
      %add3A_292 = arith.constant 16000384 : i32
      %add3A_293 = vector.broadcast %add3A_292 : i32 to vector<16xi32>
      %add3A_294 = arith.addi %add3A_83, %add3A_293 : vector<16xi32>
      %mul3A_295 = arith.constant 16 : i32
      %mul3A_296 = arith.muli %scan3A_24, %mul3A_295 : i32
      %add3A_297 = arith.constant 5632 : i32
      %add3A_298 = arith.addi %add3A_297, %mul3A_296 : i32
      %swap3A_299 = arith.index_cast %add3A_298 : i32 to index
      %swap3A_300 = tpu.vector_load %arg8[%swap3A_299] {strides = array<i32>} : memref<8192xi32, #tpu.memory_space<vmem>>, vector<16xi32>,
      tpu.vector_store %arg8[%swap3A_299], %add3A_294 {strides = array<i32>} : memref<8192xi32, #tpu.memory_space<vmem>>, vector<16xi32>,
      %add3A_301 = arith.constant 16000384 : i32
      %add3A_302 = vector.broadcast %add3A_301 : i32 to vector<16xi32>
      %add3A_303 = arith.addi %add3A_93, %add3A_302 : vector<16xi32>
      %mul3A_304 = arith.constant 16 : i32
      %mul3A_305 = arith.muli %scan3A_24, %mul3A_304 : i32
      %add3A_306 = arith.constant 5632 : i32
      %add3A_307 = arith.addi %add3A_306, %mul3A_305 : i32
      %swap3A_308 = arith.index_cast %add3A_307 : i32 to index
      %swap3A_309 = tpu.vector_load %arg9[%swap3A_308] {strides = array<i32>} : memref<8192xi32, #tpu.memory_space<vmem>>, vector<16xi32>,
      tpu.vector_store %arg9[%swap3A_308], %add3A_303 {strides = array<i32>} : memref<8192xi32, #tpu.memory_space<vmem>>, vector<16xi32>,
      %add3A_310 = arith.constant 16000512 : i32
      %add3A_311 = vector.broadcast %add3A_310 : i32 to vector<16xi32>
      %add3A_312 = arith.addi %add3A_83, %add3A_311 : vector<16xi32>
      %mul3A_313 = arith.constant 16 : i32
      %mul3A_314 = arith.muli %scan3A_24, %mul3A_313 : i32
      %add3A_315 = arith.constant 6144 : i32
      %add3A_316 = arith.addi %add3A_315, %mul3A_314 : i32
      %swap3A_317 = arith.index_cast %add3A_316 : i32 to index
      %swap3A_318 = tpu.vector_load %arg8[%swap3A_317] {strides = array<i32>} : memref<8192xi32, #tpu.memory_space<vmem>>, vector<16xi32>,
      tpu.vector_store %arg8[%swap3A_317], %add3A_312 {strides = array<i32>} : memref<8192xi32, #tpu.memory_space<vmem>>, vector<16xi32>,
      %add3A_319 = arith.constant 16000512 : i32
      %add3A_320 = vector.broadcast %add3A_319 : i32 to vector<16xi32>
      %add3A_321 = arith.addi %add3A_93, %add3A_320 : vector<16xi32>
      %mul3A_322 = arith.constant 16 : i32
      %mul3A_323 = arith.muli %scan3A_24, %mul3A_322 : i32
      %add3A_324 = arith.constant 6144 : i32
      %add3A_325 = arith.addi %add3A_324, %mul3A_323 : i32
      %swap3A_326 = arith.index_cast %add3A_325 : i32 to index
      %swap3A_327 = tpu.vector_load %arg9[%swap3A_326] {strides = array<i32>} : memref<8192xi32, #tpu.memory_space<vmem>>, vector<16xi32>,
      tpu.vector_store %arg9[%swap3A_326], %add3A_321 {strides = array<i32>} : memref<8192xi32, #tpu.memory_space<vmem>>, vector<16xi32>,
      %add3A_328 = arith.constant 16000640 : i32
      %add3A_329 = vector.broadcast %add3A_328 : i32 to vector<16xi32>
      %add3A_330 = arith.addi %add3A_83, %add3A_329 : vector<16xi32>
      %mul3A_331 = arith.constant 16 : i32
      %mul3A_332 = arith.muli %scan3A_24, %mul3A_331 : i32
      %add3A_333 = arith.constant 6656 : i32
      %add3A_334 = arith.addi %add3A_333, %mul3A_332 : i32
      %swap3A_335 = arith.index_cast %add3A_334 : i32 to index
      %swap3A_336 = tpu.vector_load %arg8[%swap3A_335] {strides = array<i32>} : memref<8192xi32, #tpu.memory_space<vmem>>, vector<16xi32>,
      tpu.vector_store %arg8[%swap3A_335], %add3A_330 {strides = array<i32>} : memref<8192xi32, #tpu.memory_space<vmem>>, vector<16xi32>,
      %add3A_337 = arith.constant 16000640 : i32
      %add3A_338 = vector.broadcast %add3A_337 : i32 to vector<16xi32>
      %add3A_339 = arith.addi %add3A_93, %add3A_338 : vector<16xi32>
      %mul3A_340 = arith.constant 16 : i32
      %mul3A_341 = arith.muli %scan3A_24, %mul3A_340 : i32
      %add3A_342 = arith.constant 6656 : i32
      %add3A_343 = arith.addi %add3A_342, %mul3A_341 : i32
      %swap3A_344 = arith.index_cast %add3A_343 : i32 to index
      %swap3A_345 = tpu.vector_load %arg9[%swap3A_344] {strides = array<i32>} : memref<8192xi32, #tpu.memory_space<vmem>>, vector<16xi32>,
      tpu.vector_store %arg9[%swap3A_344], %add3A_339 {strides = array<i32>} : memref<8192xi32, #tpu.memory_space<vmem>>, vector<16xi32>,
      %add3A_346 = arith.constant 16000768 : i32
      %add3A_347 = vector.broadcast %add3A_346 : i32 to vector<16xi32>
      %add3A_348 = arith.addi %add3A_83, %add3A_347 : vector<16xi32>
      %mul3A_349 = arith.constant 16 : i32
      %mul3A_350 = arith.muli %scan3A_24, %mul3A_349 : i32
      %add3A_351 = arith.constant 7168 : i32
      %add3A_352 = arith.addi %add3A_351, %mul3A_350 : i32
      %swap3A_353 = arith.index_cast %add3A_352 : i32 to index
      %swap3A_354 = tpu.vector_load %arg8[%swap3A_353] {strides = array<i32>} : memref<8192xi32, #tpu.memory_space<vmem>>, vector<16xi32>,
      tpu.vector_store %arg8[%swap3A_353], %add3A_348 {strides = array<i32>} : memref<8192xi32, #tpu.memory_space<vmem>>, vector<16xi32>,
      %add3A_355 = arith.constant 16000768 : i32
      %add3A_356 = vector.broadcast %add3A_355 : i32 to vector<16xi32>
      %add3A_357 = arith.addi %add3A_93, %add3A_356 : vector<16xi32>
      %mul3A_358 = arith.constant 16 : i32
      %mul3A_359 = arith.muli %scan3A_24, %mul3A_358 : i32
      %add3A_360 = arith.constant 7168 : i32
      %add3A_361 = arith.addi %add3A_360, %mul3A_359 : i32
      %swap3A_362 = arith.index_cast %add3A_361 : i32 to index
      %swap3A_363 = tpu.vector_load %arg9[%swap3A_362] {strides = array<i32>} : memref<8192xi32, #tpu.memory_space<vmem>>, vector<16xi32>,
      tpu.vector_store %arg9[%swap3A_362], %add3A_357 {strides = array<i32>} : memref<8192xi32, #tpu.memory_space<vmem>>, vector<16xi32>,
      %add3A_364 = arith.constant 16000896 : i32
      %add3A_365 = vector.broadcast %add3A_364 : i32 to vector<16xi32>
      %add3A_366 = arith.addi %add3A_83, %add3A_365 : vector<16xi32>
      %mul3A_367 = arith.constant 16 : i32
      %mul3A_368 = arith.muli %scan3A_24, %mul3A_367 : i32
      %add3A_369 = arith.constant 7680 : i32
      %add3A_370 = arith.addi %add3A_369, %mul3A_368 : i32
      %swap3A_371 = arith.index_cast %add3A_370 : i32 to index
      %swap3A_372 = tpu.vector_load %arg8[%swap3A_371] {strides = array<i32>} : memref<8192xi32, #tpu.memory_space<vmem>>, vector<16xi32>,
      tpu.vector_store %arg8[%swap3A_371], %add3A_366 {strides = array<i32>} : memref<8192xi32, #tpu.memory_space<vmem>>, vector<16xi32>,
      %add3A_373 = arith.constant 16000896 : i32
      %add3A_374 = vector.broadcast %add3A_373 : i32 to vector<16xi32>
      %add3A_375 = arith.addi %add3A_93, %add3A_374 : vector<16xi32>
      %mul3A_376 = arith.constant 16 : i32
      %mul3A_377 = arith.muli %scan3A_24, %mul3A_376 : i32
      %add3A_378 = arith.constant 7680 : i32
      %add3A_379 = arith.addi %add3A_378, %mul3A_377 : i32
      %swap3A_380 = arith.index_cast %add3A_379 : i32 to index
      %swap3A_381 = tpu.vector_load %arg9[%swap3A_380] {strides = array<i32>} : memref<8192xi32, #tpu.memory_space<vmem>>, vector<16xi32>,
      tpu.vector_store %arg9[%swap3A_380], %add3A_375 {strides = array<i32>} : memref<8192xi32, #tpu.memory_space<vmem>>, vector<16xi32>,
      %scan3A_382 = arith.constant 0 : i32
      scf.yield %scan3A_382 : i32
    }
    %scan3A_10 = arith.constant 32 : i32
    "tpu.region"() ({
      %run_scoped3A = tpu.sem_alloc : memref<!tpu.dma_semaphore, #tpu.memory_space<semaphore_mem>>
      %dma_start3A_24 = tpu.memref_slice %arg5[%mul3A_2] : memref<16384xi32, #tpu.memory_space<hbm>> -> memref<512xi32, #tpu.memory_space<hbm>>
      %dma_start3A_25 = tpu.memref_slice %arg5[%mul3A_2] : memref<16384xi32, #tpu.memory_space<hbm>> -> memref<512xi32, #tpu.memory_space<hbm>>
      tpu.enqueue_dma source(%arg10 : memref<512xi32, #tpu.memory_space<vmem>>) target(%dma_start3A_25 : memref<512xi32, #tpu.memory_space<hbm>>) target_semaphore(%run_scoped3A : memref<!tpu.dma_semaphore, #tpu.memory_space<semaphore_mem>>)
      %dma_wait3A_26 = tpu.memref_slice %arg5[%mul3A_2] : memref<16384xi32, #tpu.memory_space<hbm>> -> memref<512xi32, #tpu.memory_space<hbm>>
      %dma_wait3A_27 = tpu.memref_slice %arg5[%mul3A_2] : memref<16384xi32, #tpu.memory_space<hbm>> -> memref<512xi32, #tpu.memory_space<hbm>>
      tpu.wait_dma2 semaphore(%run_scoped3A : memref<!tpu.dma_semaphore, #tpu.memory_space<semaphore_mem>>) src(%arg10 : memref<512xi32, #tpu.memory_space<vmem>>) dst(%dma_wait3A_27 : memref<512xi32, #tpu.memory_space<hbm>>)
      tpu.yield
    }) : () -> ()
    "tpu.region"() ({
      %run_scoped3A = tpu.sem_alloc : memref<!tpu.dma_semaphore, #tpu.memory_space<semaphore_mem>>
      %dma_start3A_24 = tpu.memref_slice %arg6[%mul3A_2] : memref<16384xi32, #tpu.memory_space<hbm>> -> memref<512xi32, #tpu.memory_space<hbm>>
      %dma_start3A_25 = tpu.memref_slice %arg6[%mul3A_2] : memref<16384xi32, #tpu.memory_space<hbm>> -> memref<512xi32, #tpu.memory_space<hbm>>
      tpu.enqueue_dma source(%arg11 : memref<512xi32, #tpu.memory_space<vmem>>) target(%dma_start3A_25 : memref<512xi32, #tpu.memory_space<hbm>>) target_semaphore(%run_scoped3A : memref<!tpu.dma_semaphore, #tpu.memory_space<semaphore_mem>>)
      %dma_wait3A_26 = tpu.memref_slice %arg6[%mul3A_2] : memref<16384xi32, #tpu.memory_space<hbm>> -> memref<512xi32, #tpu.memory_space<hbm>>
      %dma_wait3A_27 = tpu.memref_slice %arg6[%mul3A_2] : memref<16384xi32, #tpu.memory_space<hbm>> -> memref<512xi32, #tpu.memory_space<hbm>>
      tpu.wait_dma2 semaphore(%run_scoped3A : memref<!tpu.dma_semaphore, #tpu.memory_space<semaphore_mem>>) src(%arg11 : memref<512xi32, #tpu.memory_space<vmem>>) dst(%dma_wait3A_27 : memref<512xi32, #tpu.memory_space<hbm>>)
      tpu.yield
    }) : () -> ()
    %dma_start3A = arith.constant 0 : i32
    %dma_start3A_11 = tpu.memref_slice %arg3[%dma_start3A] : memref<32000000xf32, #tpu.memory_space<hbm>> -> memref<32000000xf32, #tpu.memory_space<hbm>>
    tpu.enqueue_indirect_dma source(%dma_start3A_11 : memref<32000000xf32, #tpu.memory_space<hbm>>) target(%arg12 : memref<8192xf32, #tpu.memory_space<vmem>>) offsets(%arg8 : memref<8192xi32, #tpu.memory_space<vmem>>) semaphore(%arg15 : memref<!tpu.dma_semaphore, #tpu.memory_space<semaphore_mem>>)
    %dma_start3A_12 = arith.constant 0 : i32
    %dma_start3A_13 = tpu.memref_slice %arg3[%dma_start3A_12] : memref<32000000xf32, #tpu.memory_space<hbm>> -> memref<32000000xf32, #tpu.memory_space<hbm>>
    tpu.enqueue_indirect_dma source(%dma_start3A_13 : memref<32000000xf32, #tpu.memory_space<hbm>>) target(%arg13 : memref<8192xf32, #tpu.memory_space<vmem>>) offsets(%arg9 : memref<8192xi32, #tpu.memory_space<vmem>>) semaphore(%arg15 : memref<!tpu.dma_semaphore, #tpu.memory_space<semaphore_mem>>)
    %dma_wait3A = arith.constant 0 : i32
    %dma_wait3A_14 = tpu.memref_slice %arg3[%dma_wait3A] : memref<32000000xf32, #tpu.memory_space<hbm>> -> memref<32000000xf32, #tpu.memory_space<hbm>>
    tpu.wait_indirect_dma semaphore(%arg15 : memref<!tpu.dma_semaphore, #tpu.memory_space<semaphore_mem>>) src(%dma_wait3A_14 : memref<32000000xf32, #tpu.memory_space<hbm>>) dst(%arg12 : memref<8192xf32, #tpu.memory_space<vmem>>)
    %dma_wait3A_15 = arith.constant 0 : i32
    %dma_wait3A_16 = tpu.memref_slice %arg3[%dma_wait3A_15] : memref<32000000xf32, #tpu.memory_space<hbm>> -> memref<32000000xf32, #tpu.memory_space<hbm>>
    tpu.wait_indirect_dma semaphore(%arg15 : memref<!tpu.dma_semaphore, #tpu.memory_space<semaphore_mem>>) src(%dma_wait3A_16 : memref<32000000xf32, #tpu.memory_space<hbm>>) dst(%arg13 : memref<8192xf32, #tpu.memory_space<vmem>>)
    %scan3A_17 = arith.constant 0 : i32
    %scan3A_18 = arith.constant 0 : i32
    %scan3A_19 = arith.constant 32 : i32
    %scan3A_20 = arith.addi %scan3A_18, %scan3A_19 : i32
    %scan3A_21 = arith.constant 1 : i32
    %scan3A_22 = scf.for %scan3A_24 = %scan3A_18 to %scan3A_20 step %scan3A_21 iter_args(%scan3A_25 = %scan3A_17) -> (i32)  : i32 {
      %mul3A_26 = arith.constant 16 : i32
      %mul3A_27 = arith.muli %scan3A_24, %mul3A_26 : i32
      %get3A = arith.index_cast %mul3A_27 : i32 to index
      %get3A_28 = tpu.vector_load %arg12[%get3A] {strides = array<i32>} : memref<8192xf32, #tpu.memory_space<vmem>>, vector<16xf32>,
      %mul3A_29 = arith.constant 16 : i32
      %mul3A_30 = arith.muli %scan3A_24, %mul3A_29 : i32
      %get3A_31 = arith.index_cast %mul3A_30 : i32 to index
      %get3A_32 = tpu.vector_load %arg13[%get3A_31] {strides = array<i32>} : memref<8192xf32, #tpu.memory_space<vmem>>, vector<16xf32>,
      %mul3A_33 = arith.mulf %get3A_28, %get3A_32 : vector<16xf32>
      %mul3A_34 = arith.constant 16 : i32
      %mul3A_35 = arith.muli %scan3A_24, %mul3A_34 : i32
      %add3A_36 = arith.constant 512 : i32
      %add3A_37 = arith.addi %add3A_36, %mul3A_35 : i32
      %get3A_38 = arith.index_cast %add3A_37 : i32 to index
      %get3A_39 = tpu.vector_load %arg12[%get3A_38] {strides = array<i32>} : memref<8192xf32, #tpu.memory_space<vmem>>, vector<16xf32>,
      %mul3A_40 = arith.constant 16 : i32
      %mul3A_41 = arith.muli %scan3A_24, %mul3A_40 : i32
      %add3A_42 = arith.constant 512 : i32
      %add3A_43 = arith.addi %add3A_42, %mul3A_41 : i32
      %get3A_44 = arith.index_cast %add3A_43 : i32 to index
      %get3A_45 = tpu.vector_load %arg13[%get3A_44] {strides = array<i32>} : memref<8192xf32, #tpu.memory_space<vmem>>, vector<16xf32>,
      %mul3A_46 = arith.mulf %get3A_39, %get3A_45 : vector<16xf32>
      %add3A_47 = arith.addf %mul3A_33, %mul3A_46 : vector<16xf32>
      %mul3A_48 = arith.constant 16 : i32
      %mul3A_49 = arith.muli %scan3A_24, %mul3A_48 : i32
      %add3A_50 = arith.constant 1024 : i32
      %add3A_51 = arith.addi %add3A_50, %mul3A_49 : i32
      %get3A_52 = arith.index_cast %add3A_51 : i32 to index
      %get3A_53 = tpu.vector_load %arg12[%get3A_52] {strides = array<i32>} : memref<8192xf32, #tpu.memory_space<vmem>>, vector<16xf32>,
      %mul3A_54 = arith.constant 16 : i32
      %mul3A_55 = arith.muli %scan3A_24, %mul3A_54 : i32
      %add3A_56 = arith.constant 1024 : i32
      %add3A_57 = arith.addi %add3A_56, %mul3A_55 : i32
      %get3A_58 = arith.index_cast %add3A_57 : i32 to index
      %get3A_59 = tpu.vector_load %arg13[%get3A_58] {strides = array<i32>} : memref<8192xf32, #tpu.memory_space<vmem>>, vector<16xf32>,
      %mul3A_60 = arith.mulf %get3A_53, %get3A_59 : vector<16xf32>
      %add3A_61 = arith.addf %add3A_47, %mul3A_60 : vector<16xf32>
      %mul3A_62 = arith.constant 16 : i32
      %mul3A_63 = arith.muli %scan3A_24, %mul3A_62 : i32
      %add3A_64 = arith.constant 1536 : i32
      %add3A_65 = arith.addi %add3A_64, %mul3A_63 : i32
      %get3A_66 = arith.index_cast %add3A_65 : i32 to index
      %get3A_67 = tpu.vector_load %arg12[%get3A_66] {strides = array<i32>} : memref<8192xf32, #tpu.memory_space<vmem>>, vector<16xf32>,
      %mul3A_68 = arith.constant 16 : i32
      %mul3A_69 = arith.muli %scan3A_24, %mul3A_68 : i32
      %add3A_70 = arith.constant 1536 : i32
      %add3A_71 = arith.addi %add3A_70, %mul3A_69 : i32
      %get3A_72 = arith.index_cast %add3A_71 : i32 to index
      %get3A_73 = tpu.vector_load %arg13[%get3A_72] {strides = array<i32>} : memref<8192xf32, #tpu.memory_space<vmem>>, vector<16xf32>,
      %mul3A_74 = arith.mulf %get3A_67, %get3A_73 : vector<16xf32>
      %add3A_75 = arith.addf %add3A_61, %mul3A_74 : vector<16xf32>
      %mul3A_76 = arith.constant 16 : i32
      %mul3A_77 = arith.muli %scan3A_24, %mul3A_76 : i32
      %add3A_78 = arith.constant 2048 : i32
      %add3A_79 = arith.addi %add3A_78, %mul3A_77 : i32
      %get3A_80 = arith.index_cast %add3A_79 : i32 to index
      %get3A_81 = tpu.vector_load %arg12[%get3A_80] {strides = array<i32>} : memref<8192xf32, #tpu.memory_space<vmem>>, vector<16xf32>,
      %mul3A_82 = arith.constant 16 : i32
      %mul3A_83 = arith.muli %scan3A_24, %mul3A_82 : i32
      %add3A_84 = arith.constant 2048 : i32
      %add3A_85 = arith.addi %add3A_84, %mul3A_83 : i32
      %get3A_86 = arith.index_cast %add3A_85 : i32 to index
      %get3A_87 = tpu.vector_load %arg13[%get3A_86] {strides = array<i32>} : memref<8192xf32, #tpu.memory_space<vmem>>, vector<16xf32>,
      %mul3A_88 = arith.mulf %get3A_81, %get3A_87 : vector<16xf32>
      %add3A_89 = arith.addf %add3A_75, %mul3A_88 : vector<16xf32>
      %mul3A_90 = arith.constant 16 : i32
      %mul3A_91 = arith.muli %scan3A_24, %mul3A_90 : i32
      %add3A_92 = arith.constant 2560 : i32
      %add3A_93 = arith.addi %add3A_92, %mul3A_91 : i32
      %get3A_94 = arith.index_cast %add3A_93 : i32 to index
      %get3A_95 = tpu.vector_load %arg12[%get3A_94] {strides = array<i32>} : memref<8192xf32, #tpu.memory_space<vmem>>, vector<16xf32>,
      %mul3A_96 = arith.constant 16 : i32
      %mul3A_97 = arith.muli %scan3A_24, %mul3A_96 : i32
      %add3A_98 = arith.constant 2560 : i32
      %add3A_99 = arith.addi %add3A_98, %mul3A_97 : i32
      %get3A_100 = arith.index_cast %add3A_99 : i32 to index
      %get3A_101 = tpu.vector_load %arg13[%get3A_100] {strides = array<i32>} : memref<8192xf32, #tpu.memory_space<vmem>>, vector<16xf32>,
      %mul3A_102 = arith.mulf %get3A_95, %get3A_101 : vector<16xf32>
      %add3A_103 = arith.addf %add3A_89, %mul3A_102 : vector<16xf32>
      %mul3A_104 = arith.constant 16 : i32
      %mul3A_105 = arith.muli %scan3A_24, %mul3A_104 : i32
      %add3A_106 = arith.constant 3072 : i32
      %add3A_107 = arith.addi %add3A_106, %mul3A_105 : i32
      %get3A_108 = arith.index_cast %add3A_107 : i32 to index
      %get3A_109 = tpu.vector_load %arg12[%get3A_108] {strides = array<i32>} : memref<8192xf32, #tpu.memory_space<vmem>>, vector<16xf32>,
      %mul3A_110 = arith.constant 16 : i32
      %mul3A_111 = arith.muli %scan3A_24, %mul3A_110 : i32
      %add3A_112 = arith.constant 3072 : i32
      %add3A_113 = arith.addi %add3A_112, %mul3A_111 : i32
      %get3A_114 = arith.index_cast %add3A_113 : i32 to index
      %get3A_115 = tpu.vector_load %arg13[%get3A_114] {strides = array<i32>} : memref<8192xf32, #tpu.memory_space<vmem>>, vector<16xf32>,
      %mul3A_116 = arith.mulf %get3A_109, %get3A_115 : vector<16xf32>
      %add3A_117 = arith.addf %add3A_103, %mul3A_116 : vector<16xf32>
      %mul3A_118 = arith.constant 16 : i32
      %mul3A_119 = arith.muli %scan3A_24, %mul3A_118 : i32
      %add3A_120 = arith.constant 3584 : i32
      %add3A_121 = arith.addi %add3A_120, %mul3A_119 : i32
      %get3A_122 = arith.index_cast %add3A_121 : i32 to index
      %get3A_123 = tpu.vector_load %arg12[%get3A_122] {strides = array<i32>} : memref<8192xf32, #tpu.memory_space<vmem>>, vector<16xf32>,
      %mul3A_124 = arith.constant 16 : i32
      %mul3A_125 = arith.muli %scan3A_24, %mul3A_124 : i32
      %add3A_126 = arith.constant 3584 : i32
      %add3A_127 = arith.addi %add3A_126, %mul3A_125 : i32
      %get3A_128 = arith.index_cast %add3A_127 : i32 to index
      %get3A_129 = tpu.vector_load %arg13[%get3A_128] {strides = array<i32>} : memref<8192xf32, #tpu.memory_space<vmem>>, vector<16xf32>,
      %mul3A_130 = arith.mulf %get3A_123, %get3A_129 : vector<16xf32>
      %add3A_131 = arith.addf %add3A_117, %mul3A_130 : vector<16xf32>
      %mul3A_132 = arith.constant 16 : i32
      %mul3A_133 = arith.muli %scan3A_24, %mul3A_132 : i32
      %add3A_134 = arith.constant 4096 : i32
      %add3A_135 = arith.addi %add3A_134, %mul3A_133 : i32
      %get3A_136 = arith.index_cast %add3A_135 : i32 to index
      %get3A_137 = tpu.vector_load %arg12[%get3A_136] {strides = array<i32>} : memref<8192xf32, #tpu.memory_space<vmem>>, vector<16xf32>,
      %mul3A_138 = arith.constant 16 : i32
      %mul3A_139 = arith.muli %scan3A_24, %mul3A_138 : i32
      %add3A_140 = arith.constant 4096 : i32
      %add3A_141 = arith.addi %add3A_140, %mul3A_139 : i32
      %get3A_142 = arith.index_cast %add3A_141 : i32 to index
      %get3A_143 = tpu.vector_load %arg13[%get3A_142] {strides = array<i32>} : memref<8192xf32, #tpu.memory_space<vmem>>, vector<16xf32>,
      %mul3A_144 = arith.mulf %get3A_137, %get3A_143 : vector<16xf32>
      %add3A_145 = arith.addf %add3A_131, %mul3A_144 : vector<16xf32>
      %mul3A_146 = arith.constant 16 : i32
      %mul3A_147 = arith.muli %scan3A_24, %mul3A_146 : i32
      %add3A_148 = arith.constant 4608 : i32
      %add3A_149 = arith.addi %add3A_148, %mul3A_147 : i32
      %get3A_150 = arith.index_cast %add3A_149 : i32 to index
      %get3A_151 = tpu.vector_load %arg12[%get3A_150] {strides = array<i32>} : memref<8192xf32, #tpu.memory_space<vmem>>, vector<16xf32>,
      %mul3A_152 = arith.constant 16 : i32
      %mul3A_153 = arith.muli %scan3A_24, %mul3A_152 : i32
      %add3A_154 = arith.constant 4608 : i32
      %add3A_155 = arith.addi %add3A_154, %mul3A_153 : i32
      %get3A_156 = arith.index_cast %add3A_155 : i32 to index
      %get3A_157 = tpu.vector_load %arg13[%get3A_156] {strides = array<i32>} : memref<8192xf32, #tpu.memory_space<vmem>>, vector<16xf32>,
      %mul3A_158 = arith.mulf %get3A_151, %get3A_157 : vector<16xf32>
      %add3A_159 = arith.addf %add3A_145, %mul3A_158 : vector<16xf32>
      %mul3A_160 = arith.constant 16 : i32
      %mul3A_161 = arith.muli %scan3A_24, %mul3A_160 : i32
      %add3A_162 = arith.constant 5120 : i32
      %add3A_163 = arith.addi %add3A_162, %mul3A_161 : i32
      %get3A_164 = arith.index_cast %add3A_163 : i32 to index
      %get3A_165 = tpu.vector_load %arg12[%get3A_164] {strides = array<i32>} : memref<8192xf32, #tpu.memory_space<vmem>>, vector<16xf32>,
      %mul3A_166 = arith.constant 16 : i32
      %mul3A_167 = arith.muli %scan3A_24, %mul3A_166 : i32
      %add3A_168 = arith.constant 5120 : i32
      %add3A_169 = arith.addi %add3A_168, %mul3A_167 : i32
      %get3A_170 = arith.index_cast %add3A_169 : i32 to index
      %get3A_171 = tpu.vector_load %arg13[%get3A_170] {strides = array<i32>} : memref<8192xf32, #tpu.memory_space<vmem>>, vector<16xf32>,
      %mul3A_172 = arith.mulf %get3A_165, %get3A_171 : vector<16xf32>
      %add3A_173 = arith.addf %add3A_159, %mul3A_172 : vector<16xf32>
      %mul3A_174 = arith.constant 16 : i32
      %mul3A_175 = arith.muli %scan3A_24, %mul3A_174 : i32
      %add3A_176 = arith.constant 5632 : i32
      %add3A_177 = arith.addi %add3A_176, %mul3A_175 : i32
      %get3A_178 = arith.index_cast %add3A_177 : i32 to index
      %get3A_179 = tpu.vector_load %arg12[%get3A_178] {strides = array<i32>} : memref<8192xf32, #tpu.memory_space<vmem>>, vector<16xf32>,
      %mul3A_180 = arith.constant 16 : i32
      %mul3A_181 = arith.muli %scan3A_24, %mul3A_180 : i32
      %add3A_182 = arith.constant 5632 : i32
      %add3A_183 = arith.addi %add3A_182, %mul3A_181 : i32
      %get3A_184 = arith.index_cast %add3A_183 : i32 to index
      %get3A_185 = tpu.vector_load %arg13[%get3A_184] {strides = array<i32>} : memref<8192xf32, #tpu.memory_space<vmem>>, vector<16xf32>,
      %mul3A_186 = arith.mulf %get3A_179, %get3A_185 : vector<16xf32>
      %add3A_187 = arith.addf %add3A_173, %mul3A_186 : vector<16xf32>
      %mul3A_188 = arith.constant 16 : i32
      %mul3A_189 = arith.muli %scan3A_24, %mul3A_188 : i32
      %add3A_190 = arith.constant 6144 : i32
      %add3A_191 = arith.addi %add3A_190, %mul3A_189 : i32
      %get3A_192 = arith.index_cast %add3A_191 : i32 to index
      %get3A_193 = tpu.vector_load %arg12[%get3A_192] {strides = array<i32>} : memref<8192xf32, #tpu.memory_space<vmem>>, vector<16xf32>,
      %mul3A_194 = arith.constant 16 : i32
      %mul3A_195 = arith.muli %scan3A_24, %mul3A_194 : i32
      %add3A_196 = arith.constant 6144 : i32
      %add3A_197 = arith.addi %add3A_196, %mul3A_195 : i32
      %get3A_198 = arith.index_cast %add3A_197 : i32 to index
      %get3A_199 = tpu.vector_load %arg13[%get3A_198] {strides = array<i32>} : memref<8192xf32, #tpu.memory_space<vmem>>, vector<16xf32>,
      %mul3A_200 = arith.mulf %get3A_193, %get3A_199 : vector<16xf32>
      %add3A_201 = arith.addf %add3A_187, %mul3A_200 : vector<16xf32>
      %mul3A_202 = arith.constant 16 : i32
      %mul3A_203 = arith.muli %scan3A_24, %mul3A_202 : i32
      %add3A_204 = arith.constant 6656 : i32
      %add3A_205 = arith.addi %add3A_204, %mul3A_203 : i32
      %get3A_206 = arith.index_cast %add3A_205 : i32 to index
      %get3A_207 = tpu.vector_load %arg12[%get3A_206] {strides = array<i32>} : memref<8192xf32, #tpu.memory_space<vmem>>, vector<16xf32>,
      %mul3A_208 = arith.constant 16 : i32
      %mul3A_209 = arith.muli %scan3A_24, %mul3A_208 : i32
      %add3A_210 = arith.constant 6656 : i32
      %add3A_211 = arith.addi %add3A_210, %mul3A_209 : i32
      %get3A_212 = arith.index_cast %add3A_211 : i32 to index
      %get3A_213 = tpu.vector_load %arg13[%get3A_212] {strides = array<i32>} : memref<8192xf32, #tpu.memory_space<vmem>>, vector<16xf32>,
      %mul3A_214 = arith.mulf %get3A_207, %get3A_213 : vector<16xf32>
      %add3A_215 = arith.addf %add3A_201, %mul3A_214 : vector<16xf32>
      %mul3A_216 = arith.constant 16 : i32
      %mul3A_217 = arith.muli %scan3A_24, %mul3A_216 : i32
      %add3A_218 = arith.constant 7168 : i32
      %add3A_219 = arith.addi %add3A_218, %mul3A_217 : i32
      %get3A_220 = arith.index_cast %add3A_219 : i32 to index
      %get3A_221 = tpu.vector_load %arg12[%get3A_220] {strides = array<i32>} : memref<8192xf32, #tpu.memory_space<vmem>>, vector<16xf32>,
      %mul3A_222 = arith.constant 16 : i32
      %mul3A_223 = arith.muli %scan3A_24, %mul3A_222 : i32
      %add3A_224 = arith.constant 7168 : i32
      %add3A_225 = arith.addi %add3A_224, %mul3A_223 : i32
      %get3A_226 = arith.index_cast %add3A_225 : i32 to index
      %get3A_227 = tpu.vector_load %arg13[%get3A_226] {strides = array<i32>} : memref<8192xf32, #tpu.memory_space<vmem>>, vector<16xf32>,
      %mul3A_228 = arith.mulf %get3A_221, %get3A_227 : vector<16xf32>
      %add3A_229 = arith.addf %add3A_215, %mul3A_228 : vector<16xf32>
      %mul3A_230 = arith.constant 16 : i32
      %mul3A_231 = arith.muli %scan3A_24, %mul3A_230 : i32
      %add3A_232 = arith.constant 7680 : i32
      %add3A_233 = arith.addi %add3A_232, %mul3A_231 : i32
      %get3A_234 = arith.index_cast %add3A_233 : i32 to index
      %get3A_235 = tpu.vector_load %arg12[%get3A_234] {strides = array<i32>} : memref<8192xf32, #tpu.memory_space<vmem>>, vector<16xf32>,
      %mul3A_236 = arith.constant 16 : i32
      %mul3A_237 = arith.muli %scan3A_24, %mul3A_236 : i32
      %add3A_238 = arith.constant 7680 : i32
      %add3A_239 = arith.addi %add3A_238, %mul3A_237 : i32
      %get3A_240 = arith.index_cast %add3A_239 : i32 to index
      %get3A_241 = tpu.vector_load %arg13[%get3A_240] {strides = array<i32>} : memref<8192xf32, #tpu.memory_space<vmem>>, vector<16xf32>,
      %mul3A_242 = arith.mulf %get3A_235, %get3A_241 : vector<16xf32>
      %add3A_243 = arith.addf %add3A_229, %mul3A_242 : vector<16xf32>
      %mul3A_244 = arith.constant 16 : i32
      %mul3A_245 = arith.muli %scan3A_24, %mul3A_244 : i32
      %swap3A = arith.index_cast %mul3A_245 : i32 to index
      %swap3A_246 = tpu.vector_load %arg14[%swap3A] {strides = array<i32>} : memref<512xf32, #tpu.memory_space<vmem>>, vector<16xf32>,
      tpu.vector_store %arg14[%swap3A], %add3A_243 {strides = array<i32>} : memref<512xf32, #tpu.memory_space<vmem>>, vector<16xf32>,
      %scan3A_247 = arith.constant 0 : i32
      scf.yield %scan3A_247 : i32
    }
    %scan3A_23 = arith.constant 32 : i32
    "tpu.region"() ({
      %run_scoped3A = tpu.sem_alloc : memref<!tpu.dma_semaphore, #tpu.memory_space<semaphore_mem>>
      %dma_start3A_24 = tpu.memref_slice %arg4[%mul3A_2] : memref<16384xf32, #tpu.memory_space<hbm>> -> memref<512xf32, #tpu.memory_space<hbm>>
      %dma_start3A_25 = tpu.memref_slice %arg4[%mul3A_2] : memref<16384xf32, #tpu.memory_space<hbm>> -> memref<512xf32, #tpu.memory_space<hbm>>
      tpu.enqueue_dma source(%arg14 : memref<512xf32, #tpu.memory_space<vmem>>) target(%dma_start3A_25 : memref<512xf32, #tpu.memory_space<hbm>>) target_semaphore(%run_scoped3A : memref<!tpu.dma_semaphore, #tpu.memory_space<semaphore_mem>>)
      %dma_wait3A_26 = tpu.memref_slice %arg4[%mul3A_2] : memref<16384xf32, #tpu.memory_space<hbm>> -> memref<512xf32, #tpu.memory_space<hbm>>
      %dma_wait3A_27 = tpu.memref_slice %arg4[%mul3A_2] : memref<16384xf32, #tpu.memory_space<hbm>> -> memref<512xf32, #tpu.memory_space<hbm>>
      tpu.wait_dma2 semaphore(%run_scoped3A : memref<!tpu.dma_semaphore, #tpu.memory_space<semaphore_mem>>) src(%arg14 : memref<512xf32, #tpu.memory_space<vmem>>) dst(%dma_wait3A_27 : memref<512xf32, #tpu.memory_space<hbm>>)
      tpu.yield
    }) : () -> ()
    return
  }
}

</mosaic_0001>

<sc_bundles>
// kernel: _gmf.4.cloned.1.call-start
scs
__scs_entry_jumppad:
0x0: {  	(pc) =	sbr.rel $0x88, $3  }
0x1: {  	(tag) =	ssettag $0x0;
	lr =	simm.s32 $0x1  }
0x2: {  	[smem:$0x3F9E] =	sst lr;
	_ =	strace $0xD0000000  }
0x3: {  	_ = 	snop  }
0x4: {  	_ = 	snop  }
0x5: {  	_ = 	snop  }
0x6: {  	_ = 	snop  }
0x7: {  	_ = 	snop  }
__scs_overlays_trampoline_lowered:
0x8: {  	[smem:$0x3FAD] =	sst s0  }
0x9: {  	[smem:$0x3FAE] =	sst s1  }
0xa: {  	[smem:$0x3FAF] =	sst s2  }
0xb: {  	[smem:$0x3FB0] =	sst s3  }
0xc: {  	[smem:$0x3FB1] =	sst s4  }
0xd: {  	[smem:$0x3FB2] =	sst s5  }
0xe: {  	[smem:$0x3FB3] =	sst s6  }
0xf: {  	[smem:$0x3FB4] =	sst s7  }
0x10: {  	[smem:$0x3FB5] =	sst s8  }
0x11: {  	[smem:$0x3FB6] =	sst s9;
	s0 =	simm.s32 @!p0 $0x0  }
0x12: {  	s1 =	sld [smem:$0x3F9C];
	s0 =	simm.s32 @p0 $0x1  }
0x13: {  	[smem:$0x3FB7] =	sst s0;
	s0 =	simm.s32 @!p1 $0x0  }
0x14: {  	s2 =	sld [smem:$0x3F9B];
	s0 =	simm.s32 @p1 $0x1  }
0x15: {  	[smem:$0x3FB8] =	sst s0;
	s0 =	simm.s32 @!p2 $0x0  }
0x16: {  	s3 =	sld [smem:$0x3FDB];
	s0 =	simm.s32 @p2 $0x1  }
0x17: {  	s4 =	simm.s32 $0x1BF5;
	[smem:$0x3FBA] =	sst s0  }
0x18: {  	s0 =	sld [smem:$0x3F9D];
	_ =	swait.ge [sflag:s4], $0x0  }
0x19: {  	s7 =	sld [smem:$0x3F9E]  }
0x1a: {  	s8 =	sadd.s32 $0xFFFFE003, lr  }
0x1b: {  	s9 =	sadd.s32 $0xFFFFFEF7, lr;
	s5 =	simm.s32 $0xFFFFFFFF;
	p2 =	slt.u32 s8, $0xFFFFF086  }
0x1c: {  	p1 =	slt.u32 s9, $0xF7A;
	s5 =	simm.s32 @!p2 $0x0  }
0x1d: {  	s5 =	simm.s32 @p1 $0x1;
	p0 =	seq.s32 s7, s2  }
0x1e: {  	s7 =	smul.u32 @!p0 $0xF7A, s2;
	p2 =	seq.s32 @!p0 s5, $0x0  }
0x1f: {  	s9 =	smul.u32 $0xF7A, s1;
	s8 =	simm.s32 @!p0 $0x1BF5;
	p2 =	por !p2, p0  }
0x20: {  	[sflag:s8] =	ssyncset.s32 @!p0 $0xFFFFF086;
	s6 =	sadd.s32 @!p0 s3, s7;
	s7 =	simm.s32 @!p0 $0x108  }
0x21: {  	s3 =	sadd.s32 s3, s9;
	s6 =	sadd.s32 @!p0 $0x88, s6;
	s7 =	simm.s32 @p2 $0x1082  }
0x22: {  	[simem:s7], [sflag:s8] =	dma.local @!p0 [hbm:s6], $0xF7A  }
0x23: {  	s9 =	sor.u32 $0xD0000000, s2;
	s6 =	simm.s32 $0x108;
	_ =	swait.ge @!p0 [sflag:s8], $0x0  }
0x24: {  	s3 =	sadd.s32 $0x88, s3;
	s6 =	simm.s32 @!p1 $0x1082;
	[sflag:s4] =	ssyncset.s32 $0xFFFFF086  }
0x25: {  	[simem:s6], [sflag:s4] =	dma.local [hbm:s3], $0xF7A  }
0x26: {  	[smem:$0x3F9E] =	sst s1;
	(tag) =	ssettag s2;
	_ =	strace s9  }
0x27: {  	s1 =	sld [smem:$0x3FAE]  }
0x28: {  	s2 =	sld [smem:$0x3FAF]  }
0x29: {  	s4 =	sld [smem:$0x3FB1]  }
0x2a: {  	p0 =	seq.s32 s5, $0x0;
	s5 =	sld [smem:$0x3FB2]  }
0x2b: {  	s6 =	sld [smem:$0x3FB3]  }
0x2c: {  	s7 =	sld [smem:$0x3FB4]  }
0x2d: {  	s3 =	simm.s32 $0x108;
	s8 =	sld [smem:$0x3FB5]  }
0x2e: {  	s3 =	simm.s32 @!p0 $0x1082;
	s9 =	sld [smem:$0x3FB6]  }
0x2f: {  	lr =	sadd.s32 s0, s3;
	s0 =	sld [smem:$0x3FAD]  }
0x30: {  	s3 =	sld [smem:$0x3FB0]  }
0x31: {  	[smem:$0x3FB9] =	sst s10  }
0x32: {  	s10 =	sld [smem:$0x3FB7];
	_ =	sdelay $0x3  }
0x33: {  	p0 =	seq.s32 s10, $0x1;
	s10 =	sld [smem:$0x3FB9];
	_ =	sdelay $0x3  }
0x34: {  	[smem:$0x3FB9] =	sst s10  }
0x35: {  	s10 =	sld [smem:$0x3FB8];
	_ =	sdelay $0x3  }
0x36: {  	p1 =	seq.s32 s10, $0x1;
	s10 =	sld [smem:$0x3FB9];
	_ =	sdelay $0x3  }
0x37: {  	[smem:$0x3FB9] =	sst s10  }
0x38: {  	s10 =	sld [smem:$0x3FBA]  }
0x39: {  	_ = 	snop;
	(pc) =	sbr.ind lr, $3  }
0x3a: {  	_ = 	snop  }
0x3b: {  	_ = 	snop  }
0x3c: {  	p2 =	seq.s32 s10, $0x1;
	s10 =	sld [smem:$0x3FB9]  }
0x3d: {  	_ =	shalt  }
0x3e: {  	_ =	shalt  }
0x3f: {  	_ =	shalt  }
0x40: {  	_ =	shalt  }
0x41: {  	_ =	shalt  }
0x42: {  	_ =	shalt  }
0x43: {  	_ =	shalt  }
0x44: {  	_ =	shalt  }
0x45: {  	_ =	shalt  }
0x46: {  	_ =	shalt  }
0x47: {  	_ =	shalt  }
0x48: {  	_ =	shalt  }
0x49: {  	_ =	shalt  }
0x4a: {  	_ =	shalt  }
0x4b: {  	_ =	shalt  }
0x4c: {  	_ =	shalt  }
0x4d: {  	_ =	shalt  }
0x4e: {  	_ =	shalt  }
0x4f: {  	_ =	shalt  }
0x50: {  	_ =	shalt  }
0x51: {  	_ =	shalt  }
0x52: {  	_ =	shalt  }
0x53: {  	_ =	shalt  }
0x54: {  	_ =	shalt  }
0x55: {  	_ =	shalt  }
0x56: {  	_ =	shalt  }
0x57: {  	_ =	shalt  }
0x58: {  	_ =	shalt  }
0x59: {  	_ =	shalt  }
0x5a: {  	_ =	shalt  }
0x5b: {  	_ =	shalt  }
0x5c: {  	_ =	shalt  }
0x5d: {  	_ =	shalt  }
0x5e: {  	_ =	shalt  }
0x5f: {  	_ =	shalt  }
0x60: {  	_ =	shalt  }
0x61: {  	_ =	shalt  }
0x62: {  	_ =	shalt  }
0x63: {  	_ =	shalt  }
0x64: {  	_ =	shalt  }
0x65: {  	_ =	shalt  }
0x66: {  	_ =	shalt  }
0x67: {  	_ =	shalt  }
0x68: {  	_ =	shalt  }
0x69: {  	_ =	shalt  }
0x6a: {  	_ =	shalt  }
0x6b: {  	_ =	shalt  }
0x6c: {  	_ =	shalt  }
0x6d: {  	_ =	shalt  }
0x6e: {  	_ =	shalt  }
0x6f: {  	_ =	shalt  }
0x70: {  	_ =	shalt  }
0x71: {  	_ =	shalt  }
0x72: {  	_ =	shalt  }
0x73: {  	_ =	shalt  }
0x74: {  	_ =	shalt  }
0x75: {  	_ =	shalt  }
0x76: {  	_ =	shalt  }
0x77: {  	_ =	shalt  }
0x78: {  	_ =	shalt  }
0x79: {  	_ =	shalt  }
0x7a: {  	_ =	shalt  }
0x7b: {  	_ =	shalt  }
0x7c: {  	_ =	shalt  }
0x7d: {  	_ =	shalt  }
0x7e: {  	_ =	shalt  }
0x7f: {  	_ =	shalt  }
0x80: {  	_ =	shalt  }
0x81: {  	_ =	shalt  }
0x82: {  	_ =	shalt  }
0x83: {  	_ =	shalt  }
0x84: {  	_ =	shalt  }
0x85: {  	_ =	shalt  }
0x86: {  	_ =	shalt  }
0x87: {  	_ =	shalt  }
.Lfunc_end0:
.L_simem_size_0:
called_computation_lowered:
.L_overlay_start_0:
0x88: {  	s2 =	sld [smem:$0x3FD9]  }
0x89: {  	s3 =	sld [smem:$0x3FFE];
	_ =	sdelay $0x1  }
0x8a: {  	s1 =	srdreg.scid  }
0x8b: {  	s0 =	sand.u32 $0x1, s1  }
0x8c: {  	s17 =	sshll.u32 s0, $0xA;
	s2 =	sadd.s32 s3, s2  }
0x8d: {  	s2 =	sadd.s32 s2, s17  }
0x8e: {  	[smem:$0x3FC5] =	sst s2  }
0x8f: {  	_ = 	snop  }
0x90: {  	s2 =	sld [smem:$0x3FC9]  }
0x91: {  	s18 =	sld [smem:$0x3FC8];
	(tm) =	ssettm $0x1  }
0x92: {  	s4 =	sld [smem:$0x3FFB];
	_ =	sdelay $0x3  }
0x93: {  	_ =	strace s4  }
0x94: {  	s4 =	sld [smem:$0x3FFC];
	_ =	sdelay $0x3  }
0x95: {  	_ =	strace s4  }
0x96: {  	s4 =	sld [smem:$0x3FFD];
	_ =	sdelay $0x3  }
0x97: {  	_ =	strace s4  }
0x98: {  	_ =	strace $0x8FFFFFFF  }
0x99: {  	s19 =	sld [smem:$0x3FDB];
	_ =	sdelay $0x1  }
0x9a: {  	s5 =	simm.s32 $_scs_section_size  }
0x9b: {  	s6 =	simm.s32 $_size__tile_overlayer_lowered;
	s7 =	simm.s32 $_tile_overlayer_lowered  }
0x9c: {  	s22 =	simm.s32 $0x1BFF;
	s21 =	sshll.u32 s7, $0x1;
	s4 =	sadd.s32 s5, s19  }
0x9d: {  	s8 =	simm.s32 $0x0;
	s20 =	sshll.u32 s6, $0x1;
	s6 =	sadd.s32 s21, s4  }
0x9e: {  	[timem:s8], [sflag:s22] =	dma.local [hbm:s6], s20  }
0x9f: {  	_ =	swait.ge [sflag:s22], s20  }
0xa0: {  	s5 =	ssub.s32 $0x0, s20;
	[sflag:s22] =	ssyncset.done $0x0  }
0xa1: {  	[sflag:s22] =	ssyncadd.s32 s5;
	_ =	sdelay $0x1  }
0xa2: {  	s23 =	simm.s32 $0x1B8B  }
0xa3: {  	_ =	swait.ge [sflag:s23], $0x1  }
0xa4: {  	[sflag:s23] =	ssyncset.done $0x0  }
0xa5: {  	s25 =	simm.s32 $0x1B8E;
	s24 =	sld [smem:$0x3FFE];
	[sflag:s23] =	ssyncadd.s32 $0xFFFFFFFF  }
0xa6: {  	s26 =	simm.s32 $execute0_lowered;
	[smem:$0x3FD2] =	sst s25  }
0xa7: {  	s6 =	sshll.u32 s26, $0x1;
	_ =	strace $0x80000046;
	[dreg:$0x1] =	wrdreg $0xFFFFFFFF  }
0xa8: {  	s28 =	simm.s32 $_size_execute0_lowered;
	s4 =	sadd.s32 s4, s6;
	[dreg:$0x0] =	wrdreg $0x0  }
0xa9: {  	s6 =	sshll.u32 s28, $0x1;
	[dreg:$0x2] =	wrdreg s4  }
0xaa: {  	[dreg:$0x3] =	wrdreg s6  }
0xab: {  	[dreg:$0x4] =	wrdreg $0xC0  }
0xac: {  	_ =	task [dreg:s8], $0x5FFFF  }
0xad: {  	[dreg:$0x1] =	wrdreg $0xFFFFFFFF  }
0xae: {  	[dreg:$0x0] =	wrdreg $0x60  }
0xaf: {  	[dreg:$0x2] =	wrdreg s2  }
0xb0: {  	[dreg:$0x3] =	wrdreg s18  }
0xb1: {  	[dreg:$0x4] =	wrdreg s24  }
0xb2: {  	[dreg:$0x5] =	wrdreg $0x9  }
0xb3: {  	_ =	task.clear_ibuf [dreg:s8], $0x6FFFF;
	_ =	strace $0x90000046  }
0xb4: {  	s29 =	simm.s32 $0x9;
	_ =	strace $0x80000048  }
0xb5: {  	_ =	swait.ge [sflag:s29], $0x1  }
0xb6: {  	[sflag:s29] =	ssyncadd.s32 $0xFFFFFFFF  }
0xb7: {  	_ =	strace $0x90000048  }
0xb8: {  	_ =	sfence  }
0xb9: {  	s30 =	sld [smem:$0x0];
	_ =	sdelay $0x2  }
0xba: {  	s31 =	sshll.u32 s1, $0xD;
	s1 =	sshrl.u32 s1, $0x2  }
0xbb: {  	s3 =	sand.u32 $0x4000, s31;
	s1 =	sadd.s32 s1, s30  }
0xbc: {  	s0 =	sor.u32 s3, s0;
	s1 =	sshll.u32 s1, $0x11  }
0xbd: {  	s0 =	sor.u32 s1, s0  }
0xbe: {  	s0 =	sadd.s32 $0x8F2B, s0  }
0xbf: {  	[sflag:s0] =	ssyncadd.remote.s32 $0x1  }
0xc0: {  	_ =	sfence.sel $0xFFFF  }
0xc1: {  	[dreg:$0x0] =	wrdreg $0xFFFFFFFF;
	(pc) =	sbr.abs _section_cstart, $3  }
0xc2: {  	[dreg:$0x1] =	wrdreg $0xFFFFFFFF  }
0xc3: {  	_ =	task.clear_ibuf [dreg:s8], $0x2FFFF;
	_ =	strace $0x9FFFFFFF  }
0xc4: {  	(tm) =	ssettm $0x7FFFFFFF  }
0xc5: {  	_ =	shalt  }
tec
execute0_lowered:
.L_overlay_start_1:
0x0: {  	(tag) =	ssettag $0x1  }
0x1: {  	s4 =	rddreg [dreg:$0x0]  }
0x2: {  	s1 =	rddreg [dreg:$0x1]  }
0x3: {  	s5 =	rddreg [dreg:$0x2]  }
0x4: {  	s3 =	simm.s32 $0x0;
	s6 =	srdreg.scid;
	s0 =	stileid.u32  }
0x5: {  	s10 =	simm.s32 $0x4400;
	s11 =	simm.s32 $0x4600;
	s12 =	simm.s32 $0x2000  }
0x6: {  	s13 =	simm.s32 $0x400;
	s14 =	simm.s32 $0x4800;
	s15 =	simm.s32 $0x2400  }
0x7: {  	s16 =	simm.s32 $0x6800;
	s17 =	simm.s32 $0x1;
	s18 =	simm.s32 $0x8800  }
0x8: {  	s19 =	simm.s32 $0x0;
	s6 =	sand.u32 $0x1, s6;
	s7 =	sshll.u32 s0, $0x1  }
0x9: {  	[smem:$0x7FF] =	sst s3;
	s7 =	sor.u32 s6, s7;
	s6 =	ssub.s32 $0x2, s6  }
0xa: {  	_ =	strace $0x80000047;
	s8 =	sshll.u32 s7, $0x6;
	s9 =	sshrl.u32 s6, $0x1  }
0xb: {  	s7 =	sshll.u32 s7, $0x7;
	s8 =	sadd.s32 s8, s5;
	s9 =	ssub.s32 s6, s9  }
0xc: {  	s4 =	sadd.s32 s4, s7;
	s5 =	sadd.s32 $0x1200, s8;
	s6 =	sadd.s32 $0x1A00, s8  }
0xd: {  	s7 =	sadd.s32 $0xA00, s8;
	s8 =	smax.u32 s9, $0x1;
	s9 =	simm.s32 $0x2  }
.LBB2_1:
0xe: {  	[tilespmem:s3], [sflag:$0x2] =	stream.linear.gather [hbm4b:s4+s3], $0x400, $0x38;
	[tilespmem:$0x8A00] =	vst v63  }
0xf: {  	_ =	swait.ge [sflag:s9], $0x400  }
0x10: {  	s20 =	sand.u32 $0x300, s3;
	s21 =	sand.u32 $0x70, s3;
	[sflag:s9] =	ssyncset.done $0x0  }
0x11: {  	s20 =	sor.u32 s21, s20;
	[sflag:s9] =	ssyncadd.s32 $0xFFFFFC00  }
0x12: {  	v0 =	vld [tilespmem:s20+$0x0]  }
0x13: {  	v1 =	vld [tilespmem:s20+$0x80];
	_ =	sdelay $0x4  }
0x14: {  	v2 =	vshll.u32 v0, $0x3;
	v1 =	vadd.s32 $0xF4240, v1  }
0x15: {  	[tilespmem:s10+$0x0] =	vst v0;
	v0 =	vand.u32 $0x7F, v0;
	v2 =	vand.u32 $0xFFFFFC00, v2;
	v3 =	vshll.u32 v1, $0x3  }
0x16: {  	s22 =	simm.s32 $0x1400;
	[tilespmem:s11+$0x0] =	vst v1;
	v1 =	vand.u32 $0x7F, v1;
	v0 =	vor.u32 v0, v2;
	v2 =	vand.u32 $0xFFFFFC00, v3  }
0x17: {  	s23 =	simm.s32 $0x3400;
	[tilespmem:s22+$0xFFFFF000] =	vst v0;
	v1 =	vor.u32 v1, v2  }
0x18: {  	v2 =	vor.u32 $0x80, v0;
	[tilespmem:s23+$0xFFFFF000] =	vst v1  }
0x19: {  	v3 =	vor.u32 $0x80, v1;
	[tilespmem:s22+$0xFFFFF200] =	vst v2  }
0x1a: {  	v2 =	vor.u32 $0x100, v0;
	[tilespmem:s23+$0xFFFFF200] =	vst v3  }
0x1b: {  	v3 =	vor.u32 $0x100, v1;
	[tilespmem:s22+$0xFFFFF400] =	vst v2  }
0x1c: {  	v2 =	vor.u32 $0x180, v0;
	[tilespmem:s23+$0xFFFFF400] =	vst v3  }
0x1d: {  	v3 =	vor.u32 $0x180, v1;
	[tilespmem:s22+$0xFFFFF600] =	vst v2  }
0x1e: {  	v2 =	vor.u32 $0x200, v0;
	[tilespmem:s23+$0xFFFFF600] =	vst v3  }
0x1f: {  	v3 =	vor.u32 $0x200, v1;
	[tilespmem:s22+$0xFFFFF800] =	vst v2  }
0x20: {  	v2 =	vor.u32 $0x280, v0;
	[tilespmem:s23+$0xFFFFF800] =	vst v3  }
0x21: {  	v3 =	vor.u32 $0x280, v1;
	[tilespmem:s22+$0xFFFFFA00] =	vst v2  }
0x22: {  	v2 =	vor.u32 $0x300, v0;
	[tilespmem:s23+$0xFFFFFA00] =	vst v3  }
0x23: {  	v3 =	vor.u32 $0x300, v1;
	[tilespmem:s22+$0xFFFFFC00] =	vst v2  }
0x24: {  	v2 =	vor.u32 $0x380, v0;
	[tilespmem:s23+$0xFFFFFC00] =	vst v3  }
0x25: {  	v3 =	vor.u32 $0x380, v1;
	[tilespmem:s22+$0xFFFFFE00] =	vst v2  }
0x26: {  	v2 =	vadd.s32 $0xF42400, v0;
	[tilespmem:s23+$0xFFFFFE00] =	vst v3  }
0x27: {  	v3 =	vadd.s32 $0xF42400, v1;
	[tilespmem:s22+$0x0] =	vst v2  }
0x28: {  	v2 =	vadd.s32 $0xF42480, v0;
	[tilespmem:s23+$0x0] =	vst v3  }
0x29: {  	v3 =	vadd.s32 $0xF42480, v1;
	[tilespmem:s22+$0x200] =	vst v2  }
0x2a: {  	v2 =	vadd.s32 $0xF42500, v0;
	[tilespmem:s23+$0x200] =	vst v3  }
0x2b: {  	v3 =	vadd.s32 $0xF42500, v1;
	[tilespmem:s22+$0x400] =	vst v2  }
0x2c: {  	v2 =	vadd.s32 $0xF42580, v0;
	[tilespmem:s23+$0x400] =	vst v3  }
0x2d: {  	v3 =	vadd.s32 $0xF42580, v1;
	[tilespmem:s22+$0x600] =	vst v2  }
0x2e: {  	v2 =	vadd.s32 $0xF42600, v0;
	[tilespmem:s23+$0x600] =	vst v3  }
0x2f: {  	v3 =	vadd.s32 $0xF42600, v1;
	[tilespmem:s22+$0x800] =	vst v2  }
0x30: {  	v2 =	vadd.s32 $0xF42680, v0;
	[tilespmem:s23+$0x800] =	vst v3  }
0x31: {  	v3 =	vadd.s32 $0xF42680, v1;
	[tilespmem:s22+$0xA00] =	vst v2  }
0x32: {  	s30 =	simm.s32 $0x20;
	s26 =	simm.s32 $0x10;
	s24 =	simm.s32 $0x4410;
	v2 =	vadd.s32 $0xF42700, v0;
	[tilespmem:s23+$0xA00] =	vst v3  }
0x33: {  	s31 =	simm.s32 $0x20;
	s28 =	simm.s32 $0x4610;
	s25 =	sand.u32 $0x300, s30;
	v3 =	vadd.s32 $0xF42700, v1;
	[tilespmem:s22+$0xC00] =	vst v2  }
0x34: {  	s29 =	simm.s32 $0x40;
	s21 =	simm.s32 $0x1410;
	s20 =	simm.s32 $0x3410;
	v0 =	vadd.s32 $0xF42780, v0;
	v1 =	vadd.s32 $0xF42780, v1;
	[tilespmem:s23+$0xC00] =	vst v3  }
.LBB2_2:
0x35: {  	s0 =	sand.u32 $0x300, s29;
	s2 =	sand.u32 $0x70, s26  }
0x36: {  	[tilespmem:s22+$0xE00] =	vst v0;
	s26 =	smov.u32 s31;
	s30 =	sadd.s32 $0x10, s31;
	s22 =	smov.u32 s21  }
0x37: {  	p0 =	sne.s32 s31, $0x1F0;
	s2 =	sor.u32 s2, s25;
	[tilespmem:s23+$0xE00] =	vst v1;
	s25 =	smov.u32 s0  }
0x38: {  	s23 =	smov.u32 s20;
	v0 =	vld [tilespmem:s2+$0x0]  }
0x39: {  	v1 =	vld [tilespmem:s2+$0x80];
	_ =	sdelay $0x3  }
0x3a: {  	v2 =	vshll.u32 v0, $0x3  }
0x3b: {  	v1 =	vadd.s32 $0xF4240, v1;
	[tilespmem:s24+$0x0] =	vst v0;
	v2 =	vand.u32 $0xFFFFFC00, v2;
	v0 =	vand.u32 $0x7F, v0  }
0x3c: {  	[tilespmem:s28+$0x0] =	vst v1;
	v0 =	vor.u32 v0, v2;
	v2 =	vshll.u32 v1, $0x3;
	v1 =	vand.u32 $0x7F, v1  }
0x3d: {  	v2 =	vand.u32 $0xFFFFFC00, v2;
	[tilespmem:s21+$0xFFFFF000] =	vst v0  }
0x3e: {  	v1 =	vor.u32 v1, v2;
	v2 =	vor.u32 $0x80, v0  }
0x3f: {  	[tilespmem:s20+$0xFFFFF000] =	vst v1;
	v3 =	vor.u32 $0x80, v1  }
0x40: {  	[tilespmem:s21+$0xFFFFF200] =	vst v2;
	v2 =	vor.u32 $0x100, v0  }
0x41: {  	[tilespmem:s20+$0xFFFFF200] =	vst v3;
	v3 =	vor.u32 $0x100, v1  }
0x42: {  	[tilespmem:s21+$0xFFFFF400] =	vst v2;
	v2 =	vor.u32 $0x180, v0  }
0x43: {  	[tilespmem:s20+$0xFFFFF400] =	vst v3;
	v3 =	vor.u32 $0x180, v1  }
0x44: {  	[tilespmem:s21+$0xFFFFF600] =	vst v2;
	v2 =	vor.u32 $0x200, v0  }
0x45: {  	[tilespmem:s20+$0xFFFFF600] =	vst v3;
	v3 =	vor.u32 $0x200, v1  }
0x46: {  	[tilespmem:s21+$0xFFFFF800] =	vst v2;
	v2 =	vor.u32 $0x280, v0  }
0x47: {  	[tilespmem:s20+$0xFFFFF800] =	vst v3;
	v3 =	vor.u32 $0x280, v1  }
0x48: {  	[tilespmem:s21+$0xFFFFFA00] =	vst v2;
	v2 =	vor.u32 $0x300, v0  }
0x49: {  	[tilespmem:s20+$0xFFFFFA00] =	vst v3;
	v3 =	vor.u32 $0x300, v1  }
0x4a: {  	[tilespmem:s21+$0xFFFFFC00] =	vst v2;
	v2 =	vor.u32 $0x380, v0  }
0x4b: {  	[tilespmem:s20+$0xFFFFFC00] =	vst v3;
	v3 =	vor.u32 $0x380, v1  }
0x4c: {  	[tilespmem:s21+$0xFFFFFE00] =	vst v2;
	v2 =	vadd.s32 $0xF42400, v0  }
0x4d: {  	[tilespmem:s20+$0xFFFFFE00] =	vst v3;
	v3 =	vadd.s32 $0xF42400, v1  }
0x4e: {  	[tilespmem:s21+$0x0] =	vst v2;
	v2 =	vadd.s32 $0xF42480, v0  }
0x4f: {  	[tilespmem:s20+$0x0] =	vst v3;
	v3 =	vadd.s32 $0xF42480, v1  }
0x50: {  	[tilespmem:s21+$0x200] =	vst v2;
	v2 =	vadd.s32 $0xF42500, v0  }
0x51: {  	[tilespmem:s20+$0x200] =	vst v3;
	v3 =	vadd.s32 $0xF42500, v1  }
0x52: {  	[tilespmem:s21+$0x400] =	vst v2;
	v2 =	vadd.s32 $0xF42580, v0  }
0x53: {  	[tilespmem:s20+$0x400] =	vst v3;
	v3 =	vadd.s32 $0xF42580, v1  }
0x54: {  	[tilespmem:s21+$0x600] =	vst v2;
	v2 =	vadd.s32 $0xF42600, v0  }
0x55: {  	[tilespmem:s20+$0x600] =	vst v3;
	v3 =	vadd.s32 $0xF42600, v1  }
0x56: {  	[tilespmem:s21+$0x800] =	vst v2;
	v2 =	vadd.s32 $0xF42680, v0  }
.Ltmp0:
0x57: {  	[tilespmem:s20+$0x800] =	vst v3;
	v3 =	vadd.s32 $0xF42680, v1;
	(pc) =	sbr.rel @p0 .LBB2_2-.Ltmp0, $4  }
0x58: {  	[tilespmem:s21+$0xA00] =	vst v2;
	v2 =	vadd.s32 $0xF42700, v0  }
0x59: {  	[tilespmem:s20+$0xA00] =	vst v3;
	v3 =	vadd.s32 $0xF42700, v1  }
0x5a: {  	s29 =	sadd.s32 $0x20, s29;
	s24 =	sadd.s32 $0x10, s24;
	v0 =	vadd.s32 $0xF42780, v0;
	s20 =	sadd.s32 $0x10, s20;
	[tilespmem:s21+$0xC00] =	vst v2  }
0x5b: {  	s31 =	smov.u32 s30;
	s28 =	sadd.s32 $0x10, s28;
	v1 =	vadd.s32 $0xF42780, v1;
	s21 =	sadd.s32 $0x10, s21;
	[tilespmem:s23+$0xC00] =	vst v3  }
0x5c: {  	s0 =	sand.u32 $0x70, s26;
	[tilespmem:s22+$0xE00] =	vst v0  }
0x5d: {  	s0 =	sor.u32 s0, s25;
	[tilespmem:s23+$0xE00] =	vst v1  }
0x5e: {  	v0 =	vld [tilespmem:s0+$0x0]  }
0x5f: {  	v1 =	vld [tilespmem:s0+$0x80];
	_ =	sdelay $0x4  }
0x60: {  	v2 =	vshll.u32 v0, $0x3;
	v1 =	vadd.s32 $0xF4240, v1  }
0x61: {  	[tilespmem:s24+$0x0] =	vst v0;
	v0 =	vand.u32 $0x7F, v0;
	v2 =	vand.u32 $0xFFFFFC00, v2;
	v3 =	vshll.u32 v1, $0x3  }
0x62: {  	[tilespmem:s28+$0x0] =	vst v1;
	v1 =	vand.u32 $0x7F, v1;
	v0 =	vor.u32 v0, v2;
	v2 =	vand.u32 $0xFFFFFC00, v3  }
0x63: {  	[tilespmem:s21+$0xFFFFF000] =	vst v0;
	v1 =	vor.u32 v1, v2  }
0x64: {  	v2 =	vor.u32 $0x80, v0;
	[tilespmem:s20+$0xFFFFF000] =	vst v1  }
0x65: {  	v3 =	vor.u32 $0x80, v1;
	[tilespmem:s21+$0xFFFFF200] =	vst v2  }
0x66: {  	v2 =	vor.u32 $0x100, v0;
	[tilespmem:s20+$0xFFFFF200] =	vst v3  }
0x67: {  	v3 =	vor.u32 $0x100, v1;
	[tilespmem:s21+$0xFFFFF400] =	vst v2  }
0x68: {  	v2 =	vor.u32 $0x180, v0;
	[tilespmem:s20+$0xFFFFF400] =	vst v3  }
0x69: {  	v3 =	vor.u32 $0x180, v1;
	[tilespmem:s21+$0xFFFFF600] =	vst v2  }
0x6a: {  	v2 =	vor.u32 $0x200, v0;
	[tilespmem:s20+$0xFFFFF600] =	vst v3  }
0x6b: {  	v3 =	vor.u32 $0x200, v1;
	[tilespmem:s21+$0xFFFFF800] =	vst v2  }
0x6c: {  	v2 =	vor.u32 $0x280, v0;
	[tilespmem:s20+$0xFFFFF800] =	vst v3  }
0x6d: {  	v3 =	vor.u32 $0x280, v1;
	[tilespmem:s21+$0xFFFFFA00] =	vst v2  }
0x6e: {  	v2 =	vor.u32 $0x300, v0;
	[tilespmem:s20+$0xFFFFFA00] =	vst v3  }
0x6f: {  	v3 =	vor.u32 $0x300, v1;
	[tilespmem:s21+$0xFFFFFC00] =	vst v2  }
0x70: {  	v2 =	vor.u32 $0x380, v0;
	[tilespmem:s20+$0xFFFFFC00] =	vst v3  }
0x71: {  	v3 =	vor.u32 $0x380, v1;
	[tilespmem:s21+$0xFFFFFE00] =	vst v2  }
0x72: {  	v2 =	vadd.s32 $0xF42400, v0;
	[tilespmem:s20+$0xFFFFFE00] =	vst v3  }
0x73: {  	v3 =	vadd.s32 $0xF42400, v1;
	[tilespmem:s21+$0x0] =	vst v2  }
0x74: {  	v2 =	vadd.s32 $0xF42480, v0;
	[tilespmem:s20+$0x0] =	vst v3  }
0x75: {  	v3 =	vadd.s32 $0xF42480, v1;
	[tilespmem:s21+$0x200] =	vst v2  }
0x76: {  	v2 =	vadd.s32 $0xF42500, v0;
	[tilespmem:s20+$0x200] =	vst v3  }
0x77: {  	v3 =	vadd.s32 $0xF42500, v1;
	[tilespmem:s21+$0x400] =	vst v2  }
0x78: {  	v2 =	vadd.s32 $0xF42580, v0;
	[tilespmem:s20+$0x400] =	vst v3  }
0x79: {  	v3 =	vadd.s32 $0xF42580, v1;
	[tilespmem:s21+$0x600] =	vst v2  }
0x7a: {  	v2 =	vadd.s32 $0xF42600, v0;
	[tilespmem:s20+$0x600] =	vst v3  }
0x7b: {  	v3 =	vadd.s32 $0xF42600, v1;
	[tilespmem:s21+$0x800] =	vst v2  }
0x7c: {  	v2 =	vadd.s32 $0xF42680, v0;
	[tilespmem:s20+$0x800] =	vst v3  }
0x7d: {  	v3 =	vadd.s32 $0xF42680, v1;
	[tilespmem:s21+$0xA00] =	vst v2  }
0x7e: {  	v2 =	vadd.s32 $0xF42700, v0;
	[tilespmem:s20+$0xA00] =	vst v3  }
0x7f: {  	v3 =	vadd.s32 $0xF42700, v1;
	[tilespmem:s21+$0xC00] =	vst v2  }
0x80: {  	v0 =	vadd.s32 $0xF42780, v0;
	[tilespmem:s20+$0xC00] =	vst v3  }
0x81: {  	v1 =	vadd.s32 $0xF42780, v1;
	[tilespmem:s21+$0xE00] =	vst v0  }
0x82: {  	s31 =	simm.s32 $0x0;
	[tilespmem:s20+$0xE00] =	vst v1  }
0x83: {  	[hbm4b:s5+s31] =	stream.linear.scatter [tilespmem:s10], [sflag:$0x2], $0x200, $0x38;
	[tilespmem:$0x8A00] =	vst v63  }
0x84: {  	_ =	swait.ge [sflag:s9], $0x200  }
0x85: {  	[sflag:s9] =	ssyncset.done $0x0  }
0x86: {  	[sflag:s9] =	ssyncadd.s32 $0xFFFFFE00  }
0x87: {  	[hbm4b:s6+s31] =	stream.linear.scatter [tilespmem:s11], [sflag:$0x2], $0x200, $0x38;
	[tilespmem:$0x8A00] =	vst v63  }
0x88: {  	_ =	swait.ge [sflag:s9], $0x200  }
0x89: {  	[sflag:s9] =	ssyncset.done $0x0  }
0x8a: {  	[sflag:s9] =	ssyncadd.s32 $0xFFFFFE00  }
0x8b: {  	[tilespmem:s14], [sflag:$0x1] =	stream.indirect.gather [hbm4b:s1+s12], $0x1, s13, s12, $0xb8;
	[tilespmem:$0x8A00] =	vst v63  }
0x8c: {  	_ = 	snop  }
0x8d: {  	[tilespmem:s16], [sflag:$0x1] =	stream.indirect.gather [hbm4b:s1+s12], $0x1, s15, s12, $0xb8;
	[tilespmem:$0x8A00] =	vst v63  }
0x8e: {  	_ =	swait.ge [sflag:s17], $0x2000  }
0x8f: {  	[sflag:s17] =	ssyncset.done $0x0  }
0x90: {  	[sflag:s17] =	ssyncadd.s32 $0xFFFFE000  }
0x91: {  	_ =	swait.ge [sflag:s17], $0x2000  }
0x92: {  	[sflag:s17] =	ssyncset.done $0x0  }
0x93: {  	s20 =	simm.s32 $0x0;
	[sflag:s17] =	ssyncadd.s32 $0xFFFFE000  }
0x94: {  	v0 =	vld [tilespmem:s20+$0x4800]  }
0x95: {  	v1 =	vld [tilespmem:s20+$0x6800]  }
0x96: {  	v2 =	vld [tilespmem:s20+$0x4A00]  }
0x97: {  	v3 =	vld [tilespmem:s20+$0x6A00]  }
0x98: {  	v4 =	vld [tilespmem:s20+$0x4C00]  }
0x99: {  	v5 =	vld [tilespmem:s20+$0x6C00]  }
0x9a: {  	v6 =	vld [tilespmem:s20+$0x4E00]  }
0x9b: {  	v7 =	vld [tilespmem:s20+$0x6E00]  }
0x9c: {  	v0 =	vmul.f32 v1, v0;
	v1 =	vmul.f32 v3, v2;
	v2 =	vld [tilespmem:s20+$0x5000]  }
0x9d: {  	v3 =	vld [tilespmem:s20+$0x7000]  }
0x9e: {  	v0 =	vadd.f32 v1, v0;
	v1 =	vmul.f32 v5, v4;
	v4 =	vld [tilespmem:s20+$0x5200]  }
0x9f: {  	v5 =	vld [tilespmem:s20+$0x7200]  }
0xa0: {  	v0 =	vadd.f32 v1, v0;
	v1 =	vmul.f32 v7, v6;
	v6 =	vld [tilespmem:s20+$0x5400]  }
0xa1: {  	v7 =	vld [tilespmem:s20+$0x7400]  }
0xa2: {  	v0 =	vadd.f32 v1, v0;
	v1 =	vmul.f32 v3, v2;
	v2 =	vld [tilespmem:s20+$0x5600]  }
0xa3: {  	v3 =	vld [tilespmem:s20+$0x7600]  }
0xa4: {  	v0 =	vadd.f32 v1, v0;
	v1 =	vmul.f32 v5, v4;
	v4 =	vld [tilespmem:s20+$0x5800]  }
0xa5: {  	v5 =	vld [tilespmem:s20+$0x7800]  }
0xa6: {  	v0 =	vadd.f32 v1, v0;
	v1 =	vmul.f32 v7, v6;
	v6 =	vld [tilespmem:s20+$0x5A00]  }
0xa7: {  	v7 =	vld [tilespmem:s20+$0x7A00]  }
0xa8: {  	v0 =	vadd.f32 v1, v0;
	v1 =	vmul.f32 v3, v2;
	v2 =	vld [tilespmem:s20+$0x5C00]  }
0xa9: {  	v3 =	vld [tilespmem:s20+$0x7C00]  }
0xaa: {  	v0 =	vadd.f32 v1, v0;
	v1 =	vmul.f32 v5, v4;
	v4 =	vld [tilespmem:s20+$0x5E00]  }
0xab: {  	v5 =	vld [tilespmem:s20+$0x7E00]  }
0xac: {  	v0 =	vadd.f32 v1, v0;
	v1 =	vmul.f32 v7, v6;
	v6 =	vld [tilespmem:s20+$0x6000]  }
0xad: {  	v7 =	vld [tilespmem:s20+$0x8000]  }
0xae: {  	v0 =	vadd.f32 v1, v0;
	v1 =	vmul.f32 v3, v2;
	v2 =	vld [tilespmem:s20+$0x6200]  }
0xaf: {  	v3 =	vld [tilespmem:s20+$0x8200]  }
0xb0: {  	v8 =	vld [tilespmem:s20+$0x6400];
	v0 =	vadd.f32 v1, v0;
	v1 =	vmul.f32 v5, v4  }
0xb1: {  	v9 =	vld [tilespmem:s20+$0x8400]  }
0xb2: {  	v4 =	vld [tilespmem:s20+$0x8600];
	v6 =	vmul.f32 v7, v6;
	v5 =	vadd.f32 v1, v0  }
0xb3: {  	s21 =	simm.s32 $0x10;
	v1 =	vld [tilespmem:s20+$0x6600]  }
0xb4: {  	v0 =	vld [tilespmem:s21+$0x4800];
	v5 =	vadd.f32 v6, v5;
	v6 =	vmul.f32 v3, v2  }
0xb5: {  	v2 =	vld [tilespmem:s21+$0x6800]  }
0xb6: {  	s22 =	simm.s32 $0x80;
	v3 =	vld [tilespmem:s21+$0x4A00];
	v5 =	vadd.f32 v6, v5;
	v6 =	vmul.f32 v9, v8  }
.LBB2_4:
0xb7: {  	p0 =	sne.s32 s22, $0x7C0;
	v7 =	vld [tilespmem:s21+$0x6A00]  }
0xb8: {  	v8 =	vld [tilespmem:s21+$0x4C00];
	v5 =	vadd.f32 v6, v5;
	v1 =	vmul.f32 v4, v1  }
0xb9: {  	v4 =	vld [tilespmem:s21+$0x6C00]  }
0xba: {  	v6 =	vld [tilespmem:s21+$0x4E00];
	v1 =	vadd.f32 v1, v5  }
0xbb: {  	v5 =	vld [tilespmem:s21+$0x6E00]  }
0xbc: {  	v0 =	vmul.f32 v2, v0;
	v2 =	vmul.f32 v7, v3;
	v3 =	vld [tilespmem:s21+$0x5000];
	[tilespmem:s20+$0x8800] =	vst v1;
	s20 =	smov.u32 s21  }
0xbd: {  	v1 =	vld [tilespmem:s20+$0x7000]  }
0xbe: {  	v0 =	vadd.f32 v2, v0;
	v2 =	vmul.f32 v4, v8;
	v4 =	vld [tilespmem:s20+$0x5200]  }
0xbf: {  	v7 =	vld [tilespmem:s20+$0x7200]  }
0xc0: {  	v0 =	vadd.f32 v2, v0;
	v2 =	vmul.f32 v5, v6;
	v5 =	vld [tilespmem:s20+$0x5400]  }
0xc1: {  	v6 =	vld [tilespmem:s20+$0x7400]  }
0xc2: {  	v0 =	vadd.f32 v2, v0;
	v1 =	vmul.f32 v1, v3;
	v2 =	vld [tilespmem:s20+$0x5600]  }
0xc3: {  	v3 =	vld [tilespmem:s20+$0x7600]  }
0xc4: {  	v0 =	vadd.f32 v1, v0;
	v1 =	vmul.f32 v7, v4;
	v4 =	vld [tilespmem:s20+$0x5800]  }
0xc5: {  	v7 =	vld [tilespmem:s20+$0x7800]  }
0xc6: {  	v0 =	vadd.f32 v1, v0;
	v1 =	vmul.f32 v6, v5;
	v5 =	vld [tilespmem:s20+$0x5A00]  }
0xc7: {  	v6 =	vld [tilespmem:s20+$0x7A00]  }
0xc8: {  	v0 =	vadd.f32 v1, v0;
	v1 =	vmul.f32 v3, v2;
	v2 =	vld [tilespmem:s20+$0x5C00]  }
0xc9: {  	v3 =	vld [tilespmem:s20+$0x7C00]  }
0xca: {  	v0 =	vadd.f32 v1, v0;
	v1 =	vmul.f32 v7, v4;
	v4 =	vld [tilespmem:s20+$0x5E00]  }
0xcb: {  	v7 =	vld [tilespmem:s20+$0x7E00]  }
0xcc: {  	v0 =	vadd.f32 v1, v0;
	v1 =	vmul.f32 v6, v5;
	v5 =	vld [tilespmem:s20+$0x6000]  }
0xcd: {  	v6 =	vld [tilespmem:s20+$0x8000]  }
0xce: {  	v0 =	vadd.f32 v1, v0;
	v1 =	vmul.f32 v3, v2;
	v2 =	vld [tilespmem:s20+$0x6200]  }
0xcf: {  	v3 =	vld [tilespmem:s20+$0x8200]  }
0xd0: {  	v0 =	vadd.f32 v1, v0;
	v1 =	vmul.f32 v7, v4;
	v7 =	vld [tilespmem:s20+$0x6400]  }
0xd1: {  	v8 =	vld [tilespmem:s20+$0x8400]  }
.Ltmp1:
0xd2: {  	v9 =	vadd.f32 v1, v0;
	v5 =	vmul.f32 v6, v5;
	v1 =	vld [tilespmem:s20+$0x6600];
	(pc) =	sbr.rel @p0 .LBB2_4-.Ltmp1, $4  }
0xd3: {  	s21 =	sshra.s32 s22, $0x2;
	v4 =	vld [tilespmem:s20+$0x8600]  }
0xd4: {  	v0 =	vld [tilespmem:s21+$0x4800];
	v5 =	vadd.f32 v5, v9;
	v6 =	vmul.f32 v3, v2  }
0xd5: {  	v2 =	vld [tilespmem:s21+$0x6800]  }
0xd6: {  	s22 =	sadd.s32 $0x40, s22;
	v3 =	vld [tilespmem:s21+$0x4A00];
	v5 =	vadd.f32 v6, v5;
	v6 =	vmul.f32 v8, v7  }
0xd7: {  	v7 =	vld [tilespmem:s21+$0x6A00]  }
0xd8: {  	v8 =	vld [tilespmem:s21+$0x4C00];
	v5 =	vadd.f32 v6, v5;
	v1 =	vmul.f32 v4, v1  }
0xd9: {  	v25 =	vld [tilespmem:s21+$0x6C00]  }
0xda: {  	v26 =	vld [tilespmem:s21+$0x4E00];
	v1 =	vadd.f32 v1, v5  }
0xdb: {  	v27 =	vld [tilespmem:s21+$0x6E00]  }
0xdc: {  	v9 =	vld [tilespmem:s21+$0x5000];
	v0 =	vmul.f32 v2, v0;
	v28 =	vmul.f32 v7, v3;
	[tilespmem:s20+$0x8800] =	vst v1  }
0xdd: {  	v1 =	vld [tilespmem:s21+$0x7000]  }
0xde: {  	v29 =	vmul.f32 v25, v8;
	v30 =	vld [tilespmem:s21+$0x5200];
	v0 =	vadd.f32 v28, v0  }
0xdf: {  	v31 =	vld [tilespmem:s21+$0x7200]  }
0xe0: {  	v32 =	vmul.f32 v27, v26;
	v33 =	vld [tilespmem:s21+$0x5400];
	v0 =	vadd.f32 v29, v0  }
0xe1: {  	v34 =	vld [tilespmem:s21+$0x7400]  }
0xe2: {  	v35 =	vld [tilespmem:s21+$0x5600];
	v0 =	vadd.f32 v32, v0;
	v1 =	vmul.f32 v1, v9  }
0xe3: {  	v36 =	vld [tilespmem:s21+$0x7600]  }
0xe4: {  	v38 =	vld [tilespmem:s21+$0x5800];
	v37 =	vmul.f32 v31, v30;
	v0 =	vadd.f32 v1, v0  }
0xe5: {  	v39 =	vld [tilespmem:s21+$0x7800]  }
0xe6: {  	v41 =	vld [tilespmem:s21+$0x5A00];
	v40 =	vmul.f32 v34, v33;
	v0 =	vadd.f32 v37, v0  }
0xe7: {  	v42 =	vld [tilespmem:s21+$0x7A00]  }
0xe8: {  	v44 =	vld [tilespmem:s21+$0x5C00];
	v43 =	vmul.f32 v36, v35;
	v0 =	vadd.f32 v40, v0  }
0xe9: {  	v45 =	vld [tilespmem:s21+$0x7C00]  }
0xea: {  	v47 =	vld [tilespmem:s21+$0x5E00];
	v46 =	vmul.f32 v39, v38;
	v0 =	vadd.f32 v43, v0  }
0xeb: {  	v48 =	vld [tilespmem:s21+$0x7E00]  }
0xec: {  	v50 =	vld [tilespmem:s21+$0x6000];
	v49 =	vmul.f32 v42, v41;
	v0 =	vadd.f32 v46, v0  }
0xed: {  	v51 =	vld [tilespmem:s21+$0x8000]  }
0xee: {  	v53 =	vld [tilespmem:s21+$0x6200];
	v52 =	vmul.f32 v45, v44;
	v0 =	vadd.f32 v49, v0  }
0xef: {  	v54 =	vld [tilespmem:s21+$0x8200]  }
0xf0: {  	v56 =	vld [tilespmem:s21+$0x6400];
	v55 =	vmul.f32 v48, v47;
	v0 =	vadd.f32 v52, v0  }
0xf1: {  	v57 =	vld [tilespmem:s21+$0x8400]  }
0xf2: {  	v59 =	vld [tilespmem:s21+$0x6600];
	v58 =	vmul.f32 v51, v50;
	v0 =	vadd.f32 v55, v0  }
0xf3: {  	v60 =	vld [tilespmem:s21+$0x8600]  }
0xf4: {  	v61 =	vmul.f32 v54, v53;
	v0 =	vadd.f32 v58, v0;
	_ =	sdelay $0x1  }
0xf5: {  	v62 =	vmul.f32 v57, v56;
	v0 =	vadd.f32 v61, v0;
	_ =	sdelay $0x1  }
0xf6: {  	v63 =	vmul.f32 v60, v59;
	v0 =	vadd.f32 v62, v0;
	_ =	sdelay $0x1  }
0xf7: {  	s19 =	sadd.s32 $0x1, s19;
	v0 =	vadd.f32 v63, v0  }
0xf8: {  	p0 =	sne.s32 s19, s8  }
.Ltmp2:
0xf9: {  	[tilespmem:s21+$0x8800] =	vst v0;
	(pc) =	sbr.rel @p0 .LBB2_1-.Ltmp2, $4  }
0xfa: {  	[hbm4b:s7+s3] =	stream.linear.scatter [tilespmem:s18], [sflag:$0x2], $0x200, $0x38;
	[tilespmem:$0x8A00] =	vst v63  }
0xfb: {  	_ =	swait.ge [sflag:s9], $0x200  }
0xfc: {  	[sflag:s9] =	ssyncset.done $0x0  }
0xfd: {  	[sflag:s9] =	ssyncadd.s32 $0xFFFFFE00  }
0xfe: {  	_ =	sfence.sel $0x180000  }
0xff: {  	[bflag:$0x0] =	sbarrier.arrive $0xFFFF  }
0x100: {  	_ =	strace $0x90000047  }
0x101: {  	s0 =	stileid.u32;
	[bflag:$0x2] =	sbarrier.arrive $0xFFFF  }
0x102: {  	p0 =	sne.s32 s0, $0x0;
	s0 =	rddreg [dreg:$0x3]  }
0x103: {  	s0 =	sadd.s32 @!p0 $0x100000, s0  }
0x104: {  	[sflag:s0] =	ssyncadd.tile.s32 @!p0 $0x1;
	_ =	shalt  }
.Lfunc_end2:
_tile_overlayer_lowered:
.L_overlay_start_2:
0x105: {  	(tag) =	ssettag $0x2  }
0x106: {  	s0 =	rddreg [dreg:$0x0];
	s2 =	stileid.u32  }
0x107: {  	s1 =	rddreg [dreg:$0x1];
	p0 =	sne.s32 s2, $0x0  }
0x108: {  	s3 =	rddreg [dreg:$0x2];
	[bflag:$0x3] =	sbarrier.arrive $0xFFFF;
	s2 =	simm.s32 @!p0 $0x1C02  }
0x109: {  	[timem:s3], [sflag:s2] =	dma.local @!p0 [hbm:s0], s1  }
0x10a: {  	s0 =	simm.s32 @!p0 $0x2  }
0x10b: {  	_ =	swait.ge @!p0 [sflag:s0], s1  }
0x10c: {  	s1 =	ssub.s32 @!p0 $0x0, s1;
	[sflag:s0] =	ssyncset.done @!p0 $0x0  }
0x10d: {  	[sflag:s0] =	ssyncadd.s32 @!p0 s1  }
0x10e: {  	[bflag:$0x3] =	sbarrier.arrive $0xFFFF  }
0x10f: {  	_ =	shalt  }

// kernel: _gmf.7.cloned.1.call-start
scs
__scs_entry_jumppad:
0x0: {  	(pc) =	sbr.rel $0x88, $3  }
0x1: {  	(tag) =	ssettag $0x0;
	lr =	simm.s32 $0x1  }
0x2: {  	[smem:$0x3F9E] =	sst lr;
	_ =	strace $0xD0000000  }
0x3: {  	_ = 	snop  }
0x4: {  	_ = 	snop  }
0x5: {  	_ = 	snop  }
0x6: {  	_ = 	snop  }
0x7: {  	_ = 	snop  }
__scs_overlays_trampoline_lowered:
0x8: {  	[smem:$0x3FAD] =	sst s0  }
0x9: {  	[smem:$0x3FAE] =	sst s1  }
0xa: {  	[smem:$0x3FAF] =	sst s2  }
0xb: {  	[smem:$0x3FB0] =	sst s3  }
0xc: {  	[smem:$0x3FB1] =	sst s4  }
0xd: {  	[smem:$0x3FB2] =	sst s5  }
0xe: {  	[smem:$0x3FB3] =	sst s6  }
0xf: {  	[smem:$0x3FB4] =	sst s7  }
0x10: {  	[smem:$0x3FB5] =	sst s8  }
0x11: {  	[smem:$0x3FB6] =	sst s9;
	s0 =	simm.s32 @!p0 $0x0  }
0x12: {  	s1 =	sld [smem:$0x3F9C];
	s0 =	simm.s32 @p0 $0x1  }
0x13: {  	[smem:$0x3FB7] =	sst s0;
	s0 =	simm.s32 @!p1 $0x0  }
0x14: {  	s2 =	sld [smem:$0x3F9B];
	s0 =	simm.s32 @p1 $0x1  }
0x15: {  	[smem:$0x3FB8] =	sst s0;
	s0 =	simm.s32 @!p2 $0x0  }
0x16: {  	s3 =	sld [smem:$0x3FDB];
	s0 =	simm.s32 @p2 $0x1  }
0x17: {  	s4 =	simm.s32 $0x1BF5;
	[smem:$0x3FBA] =	sst s0  }
0x18: {  	s0 =	sld [smem:$0x3F9D];
	_ =	swait.ge [sflag:s4], $0x0  }
0x19: {  	s7 =	sld [smem:$0x3F9E]  }
0x1a: {  	s8 =	sadd.s32 $0xFFFFE003, lr  }
0x1b: {  	s9 =	sadd.s32 $0xFFFFFEF7, lr;
	s5 =	simm.s32 $0xFFFFFFFF;
	p2 =	slt.u32 s8, $0xFFFFF086  }
0x1c: {  	p1 =	slt.u32 s9, $0xF7A;
	s5 =	simm.s32 @!p2 $0x0  }
0x1d: {  	s5 =	simm.s32 @p1 $0x1;
	p0 =	seq.s32 s7, s2  }
0x1e: {  	s7 =	smul.u32 @!p0 $0xF7A, s2;
	p2 =	seq.s32 @!p0 s5, $0x0  }
0x1f: {  	s9 =	smul.u32 $0xF7A, s1;
	s8 =	simm.s32 @!p0 $0x1BF5;
	p2 =	por !p2, p0  }
0x20: {  	[sflag:s8] =	ssyncset.s32 @!p0 $0xFFFFF086;
	s6 =	sadd.s32 @!p0 s3, s7;
	s7 =	simm.s32 @!p0 $0x108  }
0x21: {  	s3 =	sadd.s32 s3, s9;
	s6 =	sadd.s32 @!p0 $0x88, s6;
	s7 =	simm.s32 @p2 $0x1082  }
0x22: {  	[simem:s7], [sflag:s8] =	dma.local @!p0 [hbm:s6], $0xF7A  }
0x23: {  	s9 =	sor.u32 $0xD0000000, s2;
	s6 =	simm.s32 $0x108;
	_ =	swait.ge @!p0 [sflag:s8], $0x0  }
0x24: {  	s3 =	sadd.s32 $0x88, s3;
	s6 =	simm.s32 @!p1 $0x1082;
	[sflag:s4] =	ssyncset.s32 $0xFFFFF086  }
0x25: {  	[simem:s6], [sflag:s4] =	dma.local [hbm:s3], $0xF7A  }
0x26: {  	[smem:$0x3F9E] =	sst s1;
	(tag) =	ssettag s2;
	_ =	strace s9  }
0x27: {  	s1 =	sld [smem:$0x3FAE]  }
0x28: {  	s2 =	sld [smem:$0x3FAF]  }
0x29: {  	s4 =	sld [smem:$0x3FB1]  }
0x2a: {  	p0 =	seq.s32 s5, $0x0;
	s5 =	sld [smem:$0x3FB2]  }
0x2b: {  	s6 =	sld [smem:$0x3FB3]  }
0x2c: {  	s7 =	sld [smem:$0x3FB4]  }
0x2d: {  	s3 =	simm.s32 $0x108;
	s8 =	sld [smem:$0x3FB5]  }
0x2e: {  	s3 =	simm.s32 @!p0 $0x1082;
	s9 =	sld [smem:$0x3FB6]  }
0x2f: {  	lr =	sadd.s32 s0, s3;
	s0 =	sld [smem:$0x3FAD]  }
0x30: {  	s3 =	sld [smem:$0x3FB0]  }
0x31: {  	[smem:$0x3FB9] =	sst s10  }
0x32: {  	s10 =	sld [smem:$0x3FB7];
	_ =	sdelay $0x3  }
0x33: {  	p0 =	seq.s32 s10, $0x1;
	s10 =	sld [smem:$0x3FB9];
	_ =	sdelay $0x3  }
0x34: {  	[smem:$0x3FB9] =	sst s10  }
0x35: {  	s10 =	sld [smem:$0x3FB8];
	_ =	sdelay $0x3  }
0x36: {  	p1 =	seq.s32 s10, $0x1;
	s10 =	sld [smem:$0x3FB9];
	_ =	sdelay $0x3  }
0x37: {  	[smem:$0x3FB9] =	sst s10  }
0x38: {  	s10 =	sld [smem:$0x3FBA]  }
0x39: {  	_ = 	snop;
	(pc) =	sbr.ind lr, $3  }
0x3a: {  	_ = 	snop  }
0x3b: {  	_ = 	snop  }
0x3c: {  	p2 =	seq.s32 s10, $0x1;
	s10 =	sld [smem:$0x3FB9]  }
0x3d: {  	_ =	shalt  }
0x3e: {  	_ =	shalt  }
0x3f: {  	_ =	shalt  }
0x40: {  	_ =	shalt  }
0x41: {  	_ =	shalt  }
0x42: {  	_ =	shalt  }
0x43: {  	_ =	shalt  }
0x44: {  	_ =	shalt  }
0x45: {  	_ =	shalt  }
0x46: {  	_ =	shalt  }
0x47: {  	_ =	shalt  }
0x48: {  	_ =	shalt  }
0x49: {  	_ =	shalt  }
0x4a: {  	_ =	shalt  }
0x4b: {  	_ =	shalt  }
0x4c: {  	_ =	shalt  }
0x4d: {  	_ =	shalt  }
0x4e: {  	_ =	shalt  }
0x4f: {  	_ =	shalt  }
0x50: {  	_ =	shalt  }
0x51: {  	_ =	shalt  }
0x52: {  	_ =	shalt  }
0x53: {  	_ =	shalt  }
0x54: {  	_ =	shalt  }
0x55: {  	_ =	shalt  }
0x56: {  	_ =	shalt  }
0x57: {  	_ =	shalt  }
0x58: {  	_ =	shalt  }
0x59: {  	_ =	shalt  }
0x5a: {  	_ =	shalt  }
0x5b: {  	_ =	shalt  }
0x5c: {  	_ =	shalt  }
0x5d: {  	_ =	shalt  }
0x5e: {  	_ =	shalt  }
0x5f: {  	_ =	shalt  }
0x60: {  	_ =	shalt  }
0x61: {  	_ =	shalt  }
0x62: {  	_ =	shalt  }
0x63: {  	_ =	shalt  }
0x64: {  	_ =	shalt  }
0x65: {  	_ =	shalt  }
0x66: {  	_ =	shalt  }
0x67: {  	_ =	shalt  }
0x68: {  	_ =	shalt  }
0x69: {  	_ =	shalt  }
0x6a: {  	_ =	shalt  }
0x6b: {  	_ =	shalt  }
0x6c: {  	_ =	shalt  }
0x6d: {  	_ =	shalt  }
0x6e: {  	_ =	shalt  }
0x6f: {  	_ =	shalt  }
0x70: {  	_ =	shalt  }
0x71: {  	_ =	shalt  }
0x72: {  	_ =	shalt  }
0x73: {  	_ =	shalt  }
0x74: {  	_ =	shalt  }
0x75: {  	_ =	shalt  }
0x76: {  	_ =	shalt  }
0x77: {  	_ =	shalt  }
0x78: {  	_ =	shalt  }
0x79: {  	_ =	shalt  }
0x7a: {  	_ =	shalt  }
0x7b: {  	_ =	shalt  }
0x7c: {  	_ =	shalt  }
0x7d: {  	_ =	shalt  }
0x7e: {  	_ =	shalt  }
0x7f: {  	_ =	shalt  }
0x80: {  	_ =	shalt  }
0x81: {  	_ =	shalt  }
0x82: {  	_ =	shalt  }
0x83: {  	_ =	shalt  }
0x84: {  	_ =	shalt  }
0x85: {  	_ =	shalt  }
0x86: {  	_ =	shalt  }
0x87: {  	_ =	shalt  }
.Lfunc_end0:
.L_simem_size_0:
called_computation.1_lowered:
.L_overlay_start_0:
0x88: {  	s2 =	sld [smem:$0x3FD9]  }
0x89: {  	s3 =	sld [smem:$0x3FFE];
	_ =	sdelay $0x1  }
0x8a: {  	s1 =	srdreg.scid  }
0x8b: {  	s0 =	sand.u32 $0x1, s1  }
0x8c: {  	s17 =	sshll.u32 s0, $0xA;
	s2 =	sadd.s32 s3, s2  }
0x8d: {  	s2 =	sadd.s32 s2, s17  }
0x8e: {  	[smem:$0x3FC5] =	sst s2  }
0x8f: {  	_ = 	snop  }
0x90: {  	s2 =	sld [smem:$0x3FD0];
	(tm) =	ssettm $0x1  }
0x91: {  	s18 =	sld [smem:$0x3FFB];
	_ =	sdelay $0x3  }
0x92: {  	_ =	strace s18  }
0x93: {  	s3 =	sld [smem:$0x3FFC];
	_ =	sdelay $0x3  }
0x94: {  	_ =	strace s3  }
0x95: {  	s3 =	sld [smem:$0x3FFD];
	_ =	sdelay $0x3  }
0x96: {  	_ =	strace s3  }
0x97: {  	_ =	strace $0x8FFFFFFF  }
0x98: {  	s19 =	sld [smem:$0x3FDB];
	_ =	sdelay $0x1  }
0x99: {  	s4 =	simm.s32 $_scs_section_size  }
0x9a: {  	s5 =	simm.s32 $_size__tile_overlayer_lowered;
	s6 =	simm.s32 $_tile_overlayer_lowered  }
0x9b: {  	s22 =	simm.s32 $0x1BFF;
	s21 =	sshll.u32 s6, $0x1;
	s3 =	sadd.s32 s4, s19  }
0x9c: {  	s7 =	simm.s32 $0x0;
	s20 =	sshll.u32 s5, $0x1;
	s5 =	sadd.s32 s21, s3  }
0x9d: {  	[timem:s7], [sflag:s22] =	dma.local [hbm:s5], s20  }
0x9e: {  	_ =	swait.ge [sflag:s22], s20  }
0x9f: {  	s4 =	ssub.s32 $0x0, s20;
	[sflag:s22] =	ssyncset.done $0x0  }
0xa0: {  	[sflag:s22] =	ssyncadd.s32 s4;
	_ =	sdelay $0x1  }
0xa1: {  	s23 =	simm.s32 $0x1B8B  }
0xa2: {  	_ =	swait.ge [sflag:s23], $0x1  }
0xa3: {  	[sflag:s23] =	ssyncset.done $0x0  }
0xa4: {  	s25 =	simm.s32 $0x1B8E;
	s24 =	sld [smem:$0x3FFE];
	[sflag:s23] =	ssyncadd.s32 $0xFFFFFFFF  }
0xa5: {  	s26 =	simm.s32 $execute0_lowered;
	[smem:$0x3FD2] =	sst s25  }
0xa6: {  	s5 =	sshll.u32 s26, $0x1;
	_ =	strace $0x80000049;
	[dreg:$0x1] =	wrdreg $0xFFFFFFFF  }
0xa7: {  	s28 =	simm.s32 $_size_execute0_lowered;
	s3 =	sadd.s32 s3, s5;
	[dreg:$0x0] =	wrdreg $0x0  }
0xa8: {  	s5 =	sshll.u32 s28, $0x1;
	[dreg:$0x2] =	wrdreg s3  }
0xa9: {  	[dreg:$0x3] =	wrdreg s5  }
0xaa: {  	[dreg:$0x4] =	wrdreg $0xC0  }
0xab: {  	_ =	task [dreg:s7], $0x5FFFF  }
0xac: {  	[dreg:$0x1] =	wrdreg $0xFFFFFFFF  }
0xad: {  	[dreg:$0x0] =	wrdreg $0x60  }
0xae: {  	[dreg:$0x2] =	wrdreg s24  }
0xaf: {  	[dreg:$0x3] =	wrdreg s2  }
0xb0: {  	[dreg:$0x4] =	wrdreg $0x9  }
0xb1: {  	_ =	task.clear_ibuf [dreg:s7], $0x5FFFF;
	_ =	strace $0x90000049  }
0xb2: {  	s29 =	simm.s32 $0x9;
	_ =	strace $0x8000004B  }
0xb3: {  	_ =	swait.ge [sflag:s29], $0x1  }
0xb4: {  	[sflag:s29] =	ssyncadd.s32 $0xFFFFFFFF  }
0xb5: {  	_ =	strace $0x9000004B  }
0xb6: {  	_ =	sfence  }
0xb7: {  	s30 =	sld [smem:$0x0];
	_ =	sdelay $0x2  }
0xb8: {  	s31 =	sshll.u32 s1, $0xD;
	s1 =	sshrl.u32 s1, $0x2  }
0xb9: {  	s3 =	sand.u32 $0x4000, s31;
	s1 =	sadd.s32 s1, s30  }
0xba: {  	s0 =	sor.u32 s3, s0;
	s1 =	sshll.u32 s1, $0x11  }
0xbb: {  	s0 =	sor.u32 s1, s0  }
0xbc: {  	s0 =	sadd.s32 $0x8F2B, s0  }
0xbd: {  	[sflag:s0] =	ssyncadd.remote.s32 $0x1  }
0xbe: {  	_ =	sfence.sel $0xFFFF  }
0xbf: {  	[dreg:$0x0] =	wrdreg $0xFFFFFFFF;
	(pc) =	sbr.abs _section_cstart, $3  }
0xc0: {  	[dreg:$0x1] =	wrdreg $0xFFFFFFFF  }
0xc1: {  	_ =	task.clear_ibuf [dreg:s7], $0x2FFFF;
	_ =	strace $0x9FFFFFFF  }
0xc2: {  	(tm) =	ssettm $0x7FFFFFFF  }
0xc3: {  	_ =	shalt  }
tec
execute0_lowered:
.L_overlay_start_1:
0x0: {  	(tag) =	ssettag $0x1  }
0x1: {  	s3 =	rddreg [dreg:$0x0]  }
0x2: {  	s7 =	rddreg [dreg:$0x1]  }
0x3: {  	s0 =	rddreg [dreg:$0x2];
	s2 =	simm.s32 $0x0;
	s4 =	srdreg.scid  }
0x4: {  	s1 =	stileid.u32;
	s10 =	simm.s32 $0x2;
	s11 =	simm.s32 $0x200  }
0x5: {  	s12 =	simm.s32 $0x400;
	s13 =	simm.s32 $0x600;
	s14 =	simm.s32 $0x1  }
0x6: {  	s15 =	simm.s32 $0x0;
	[smem:$0x7FF] =	sst s2;
	s4 =	sand.u32 $0x1, s4  }
0x7: {  	s5 =	sshll.u32 s1, $0x7;
	s6 =	sshll.u32 s4, $0x6;
	s4 =	ssub.s32 $0x2, s4  }
0x8: {  	_ =	strace $0x8000004A;
	s8 =	sor.u32 s6, s5;
	s31 =	sshrl.u32 s4, $0x1  }
0x9: {  	s6 =	sadd.s32 s8, s3;
	s3 =	sadd.s32 $0x2200, s3;
	s9 =	ssub.s32 s4, s31  }
0xa: {  	s7 =	sadd.s32 s7, s8;
	s4 =	sadd.s32 $0xA00, s6;
	s5 =	sadd.s32 $0x1200, s6  }
0xb: {  	s6 =	sadd.s32 $0x1A00, s6;
	s8 =	smax.u32 s9, $0x1;
	s9 =	simm.s32 $0x800  }
.LBB2_1:
0xc: {  	[tilespmem:s9], [sflag:$0x1] =	stream.linear.gather [hbm4b:s4+s2], $0x200, $0x38;
	[tilespmem:$0xA00] =	vst v63  }
0xd: {  	_ = 	snop  }
0xe: {  	[tilespmem:s2], [sflag:$0x2] =	stream.linear.gather [hbm4b:s5+s2], $0x200, $0x38;
	[tilespmem:$0xA00] =	vst v63  }
0xf: {  	_ =	swait.ge [sflag:s10], $0x200  }
0x10: {  	[sflag:s10] =	ssyncset.done $0x0  }
0x11: {  	[sflag:s10] =	ssyncadd.s32 $0xFFFFFE00  }
0x12: {  	[tilespmem:s11], [sflag:$0x2] =	stream.linear.gather [hbm4b:s6+s2], $0x200, $0x38;
	[tilespmem:$0xA00] =	vst v63  }
0x13: {  	_ =	swait.ge [sflag:s10], $0x200  }
0x14: {  	[sflag:s10] =	ssyncset.done $0x0  }
0x15: {  	[sflag:s10] =	ssyncadd.s32 $0xFFFFFE00  }
0x16: {  	[tilespmem:s12], [sflag:$0x1] =	stream.indirect.gather [hbm4b:s3+s11], $0x1, s2, s11, $0xb8;
	[tilespmem:$0xA00] =	vst v63  }
0x17: {  	_ = 	snop  }
0x18: {  	[tilespmem:s13], [sflag:$0x1] =	stream.indirect.gather [hbm4b:s3+s11], $0x1, s11, s11, $0xb8;
	[tilespmem:$0xA00] =	vst v63  }
0x19: {  	_ =	swait.ge [sflag:s14], $0x200  }
0x1a: {  	[sflag:s14] =	ssyncset.done $0x0  }
0x1b: {  	[sflag:s14] =	ssyncadd.s32 $0xFFFFFE00  }
0x1c: {  	_ =	swait.ge [sflag:s14], $0x200  }
0x1d: {  	[sflag:s14] =	ssyncset.done $0x0  }
0x1e: {  	[sflag:s14] =	ssyncadd.s32 $0xFFFFFE00  }
0x1f: {  	_ =	swait.ge [sflag:s14], $0x200  }
0x20: {  	[sflag:s14] =	ssyncset.done $0x0  }
0x21: {  	s16 =	simm.s32 $0x0;
	[sflag:s14] =	ssyncadd.s32 $0xFFFFFE00  }
0x22: {  	s17 =	simm.s32 $0x40;
	v0 =	vld [tilespmem:s16+$0x400]  }
.LBB2_2:
0x23: {  	p0 =	sne.s32 s17, $0x7C0;
	v1 =	vld [tilespmem:s16+$0x800];
	_ =	sdelay $0x1  }
0x24: {  	v2 =	vld [tilespmem:s16+$0x600];
	_ =	sdelay $0x2  }
.Ltmp0:
0x25: {  	v0 =	vadd.f32 v0, v1;
	(pc) =	sbr.rel @p0 .LBB2_2-.Ltmp0, $4  }
0x26: {  	_ = 	snop  }
0x27: {  	v1 =	vadd.f32 v2, v0  }
0x28: {  	s18 =	sshra.s32 s17, $0x2  }
0x29: {  	s17 =	sadd.s32 $0x40, s17;
	v0 =	vld [tilespmem:s18+$0x400];
	[tilespmem:s16+$0x800] =	vst v1;
	s16 =	smov.u32 s18  }
0x2a: {  	v1 =	vld [tilespmem:s16+$0x800];
	_ =	sdelay $0x1  }
0x2b: {  	v2 =	vld [tilespmem:s16+$0x600];
	_ =	sdelay $0x2  }
0x2c: {  	v0 =	vadd.f32 v0, v1;
	_ =	sdelay $0x1  }
0x2d: {  	s15 =	sadd.s32 $0x1, s15;
	v0 =	vadd.f32 v2, v0  }
0x2e: {  	p0 =	sne.s32 s15, s8  }
.Ltmp1:
0x2f: {  	[tilespmem:s16+$0x800] =	vst v0;
	(pc) =	sbr.rel @p0 .LBB2_1-.Ltmp1, $4  }
0x30: {  	[hbm4b:s7+s2] =	stream.linear.scatter [tilespmem:s9], [sflag:$0x2], $0x200, $0x38;
	[tilespmem:$0xA00] =	vst v63  }
0x31: {  	_ =	swait.ge [sflag:s10], $0x200  }
0x32: {  	[sflag:s10] =	ssyncset.done $0x0  }
0x33: {  	[sflag:s10] =	ssyncadd.s32 $0xFFFFFE00  }
0x34: {  	_ =	sfence.sel $0x180000  }
0x35: {  	[bflag:$0x0] =	sbarrier.arrive $0xFFFF  }
0x36: {  	p0 =	sne.s32 s1, $0x0;
	_ =	strace $0x9000004A  }
0x37: {  	s0 =	sadd.s32 @!p0 $0x100000, s0;
	[bflag:$0x2] =	sbarrier.arrive $0xFFFF  }
0x38: {  	[sflag:s0] =	ssyncadd.tile.s32 @!p0 $0x1;
	_ =	shalt  }
.Lfunc_end2:
_tile_overlayer_lowered:
.L_overlay_start_2:
0x39: {  	(tag) =	ssettag $0x2  }
0x3a: {  	s0 =	rddreg [dreg:$0x0];
	s2 =	stileid.u32  }
0x3b: {  	s1 =	rddreg [dreg:$0x1];
	p0 =	sne.s32 s2, $0x0  }
0x3c: {  	s3 =	rddreg [dreg:$0x2];
	[bflag:$0x3] =	sbarrier.arrive $0xFFFF;
	s2 =	simm.s32 @!p0 $0x1C02  }
0x3d: {  	[timem:s3], [sflag:s2] =	dma.local @!p0 [hbm:s0], s1  }
0x3e: {  	s0 =	simm.s32 @!p0 $0x2  }
0x3f: {  	_ =	swait.ge @!p0 [sflag:s0], s1  }
0x40: {  	s1 =	ssub.s32 @!p0 $0x0, s1;
	[sflag:s0] =	ssyncset.done @!p0 $0x0  }
0x41: {  	[sflag:s0] =	ssyncadd.s32 @!p0 s1  }
0x42: {  	[bflag:$0x3] =	sbarrier.arrive $0xFFFF  }
0x43: {  	_ =	shalt  }

</sc_bundles>
